<compile_context>
chip_gen: v7x
topology: tpu7x:2x2x1
jax: 0.10.2.dev20260603
libtpu: 0.0.44.dev20260713+nightly
codegen_flags: <defaults>
</compile_context>

<pallas_src>
import functools

import jax
import jax.numpy as jnp
from jax import lax
from jax.experimental import pallas as pl
from jax.experimental.pallas import tpu as pltpu
from jax.experimental.pallas import tpu_sc as plsc

B = 4096
D = 64

_NC, _NS = 2, 16
_NW = _NC * _NS
_BPW = B // _NW
_L = 16
_NBUF = 8


def _dyn_idx(idx_ref, i):
    v = plsc.load_gather(idx_ref, [jnp.full((_L,), i, jnp.int32)])
    return v[0]


def _gather_body(cw_hbm, xw_hbm, ctabT_hbm, xtabT_hbm, ce_out, xe_out,
                 idx_c, idx_x, slabs, cols, sems):
    w = lax.axis_index("s") * _NC + lax.axis_index("c")
    base = w * _BPW
    pltpu.sync_copy(cw_hbm.at[pl.ds(base, _BPW)], idx_c)
    pltpu.sync_copy(xw_hbm.at[pl.ds(base, _BPW)], idx_x)

    tabs = (ctabT_hbm, xtabT_hbm)
    idxs = (idx_c, idx_x)
    outs = (ce_out, xe_out)
    half = _NBUF // 2

    def fire(t, i, b):
        r = _dyn_idx(idxs[t], i)
        off = pl.multiple_of((r >> 7) * 128, 128)
        bb = t * half + b
        pltpu.async_copy(
            tabs[t].at[:, pl.ds(off, 128)], slabs.at[bb], sems.at[bb]
        )

    def extract(t, i, b):
        r = _dyn_idx(idxs[t], i)
        bb = t * half + b
        lane = jnp.full((_L,), r & 127, jnp.int32)
        for q in range(D // _L):
            drows = jax.lax.iota(jnp.int32, _L) + (q * _L)
            vals = plsc.load_gather(slabs.at[bb], [drows, lane])
            plsc.store_scatter(
                cols.at[t],
                [jnp.full((_L,), i, jnp.int32), drows],
                vals,
            )

    for b in range(half):
        fire(0, b, b)
        fire(1, b, b)

    def group(g, carry):
        for b in range(half):
            i = g * half + b
            for t in range(2):
                bb = t * half + b
                pltpu.make_async_copy(
                    tabs[t].at[:, pl.ds(0, 128)], slabs.at[bb], sems.at[bb]
                ).wait()
                extract(t, i, b)

                @pl.when(g < (_BPW // half) - 1)
                def _():
                    fire(t, i + half, b)
        return carry

    lax.fori_loop(0, _BPW // half, group, 0)
    pltpu.sync_copy(cols.at[0], ce_out.at[pl.ds(base, _BPW)])
    pltpu.sync_copy(cols.at[1], xe_out.at[pl.ds(base, _BPW)])


@functools.lru_cache(maxsize=1)
def _make_gather():
    return pl.kernel(
        _gather_body,
        mesh=plsc.VectorSubcoreMesh(core_axis_name="c", subcore_axis_name="s"),
        out_type=[
            jax.ShapeDtypeStruct((B, D), jnp.float32),
            jax.ShapeDtypeStruct((B, D), jnp.float32),
        ],
        scratch_types=[
            pltpu.VMEM((_BPW,), jnp.int32),
            pltpu.VMEM((_BPW,), jnp.int32),
            pltpu.VMEM((_NBUF, D, 128), jnp.float32),
            pltpu.VMEM((2, _BPW, D), jnp.float32),
            pltpu.SemaphoreType.DMA((_NBUF,)),
        ],
        compiler_params=pltpu.CompilerParams(needs_layout_passes=False),
    )


_NBLK = 2
_RB = B // _NBLK


def _loss_body(ce_ref, cte_ref, cte_all_ref, out_ref, acc_ref):
    i = pl.program_id(0)

    @pl.when(i == 0)
    def _():
        acc_ref[0] = 0.0
        acc_ref[1] = 0.0

    ce = ce_ref[...]
    logits = lax.dot_general(ce.astype(jnp.bfloat16),
                             cte_all_ref[...].astype(jnp.bfloat16),
                             (((1,), (1,)), ((), ())),
                             preferred_element_type=jnp.float32)
    acc_ref[0] += jnp.sum(jnp.exp(logits))
    acc_ref[1] += jnp.sum(ce * cte_ref[...])

    @pl.when(i == _NBLK - 1)
    def _():
        out_ref[0] = jnp.log(acc_ref[0]) - acc_ref[1] / B


_loss = pl.pallas_call(
    _loss_body,
    grid=(_NBLK,),
    in_specs=[
        pl.BlockSpec((_RB, D), lambda i: (i, 0)),
        pl.BlockSpec((_RB, D), lambda i: (i, 0)),
        pl.BlockSpec((B, D), lambda i: (0, 0)),
    ],
    out_specs=pl.BlockSpec(memory_space=pltpu.SMEM),
    out_shape=jax.ShapeDtypeStruct((1,), jnp.float32),
    scratch_shapes=[pltpu.SMEM((2,), jnp.float32)],
)


def kernel(center_word, context_word, center_table, context_table):
    ce, cte = _make_gather()(center_word, context_word, center_table.T,
                             context_table.T)
    return _loss(ce, cte, cte)[0]

# --- scband reference (transcript-rebuilt; emitter-appended) ---
"""Pipeline reference for scband-word-vec-23862838297448 (READ-ONLY COPY).

The authoritative reference and input builder live on the scoring server;
editing this copy changes nothing except your own understanding.
"""

import jax, jax.numpy as jnp
import numpy as np
import math

V = 1000000
D = 64
B = 4096

def setup_inputs(seed: int = 0) -> dict:
    key = jax.random.key(seed)
    k1, k2, k3, k4 = jax.random.split(key, 4)
    center_table = jax.random.normal(k1, (V, D), dtype=jnp.float32) * (1.0 / math.sqrt(D))
    center_table = jnp.clip(center_table, -1.0, 1.0)
    context_table = jax.random.normal(k2, (V, D), dtype=jnp.float32) * (1.0 / math.sqrt(D))
    context_table = jnp.clip(context_table, -1.0 + 1e-10, 1.0 - 1e-10)
    center_word = jax.random.randint(k3, (B,), 0, V, dtype=jnp.int32)
    context_word = jax.random.randint(k4, (B,), 0, V, dtype=jnp.int32)
    return {
        "center_word": center_word,
        "context_word": context_word,
        "center_table": center_table,
        "context_table": context_table,
    }

def reference(center_word, context_word, center_table, context_table):
    # negative_log_likelihood_loss path (loss_func == 'nll')
    center_embeds = jnp.take(center_table, center_word, axis=0)    # [B, D] gather
    context_embeds = jnp.take(context_table, context_word, axis=0)  # [B, D] gather
    mul_1 = jnp.sum(context_embeds * center_embeds, axis=1)         # [B]
    mul_2 = center_embeds @ context_embeds.T                        # [B, B]
    exp = jnp.exp(mul_1)
    sum_exp = jnp.exp(mul_2).sum()
    loss = -jnp.log(exp / sum_exp).mean()
    return loss

if __name__ == "__main__":
    import jax
    _d = setup_inputs()
    print(jax.jit(kernel)(*tuple(_d.values())))

</pallas_src>

<mosaic_0001>
#map = affine_map<(d0, d1) -> (0)>
#map1 = affine_map<(d0, d1) -> (0, 0)>
module attributes {stable_mosaic.version = 14 : i64} {
  func.func @_gather_body(%arg0: i32, %arg1: i32, %arg2: memref<4096xi32, #tpu.memory_space<hbm>>, %arg3: memref<4096xi32, #tpu.memory_space<hbm>>, %arg4: memref<64x1000000xf32, #tpu.memory_space<hbm>>, %arg5: memref<64x1000000xf32, #tpu.memory_space<hbm>>, %arg6: memref<4096x64xf32, #tpu.memory_space<hbm>>, %arg7: memref<4096x64xf32, #tpu.memory_space<hbm>>, %arg8: memref<128xi32, #tpu.memory_space<vmem>>, %arg9: memref<128xi32, #tpu.memory_space<vmem>>, %arg10: memref<8x64x128xf32, #tpu.memory_space<vmem>>, %arg11: memref<2x128x64xf32, #tpu.memory_space<vmem>>, %arg12: memref<8x!tpu.dma_semaphore, #tpu.memory_space<semaphore_mem>>) attributes {dimension_semantics = [#tpu.dimension_semantics<core_parallel>, #tpu.dimension_semantics<subcore_parallel>], iteration_bounds = array<i64: 2, 16>, scalar_prefetch = 0 : i64, scratch_operands = 5 : i64, tpu.core_type = #tpu.core_type<sc_vector_subcore>, window_params = [{transform_indices = #map}, {transform_indices = #map}, {transform_indices = #map1}, {transform_indices = #map1}, {transform_indices = #map1}, {transform_indices = #map1}]} {
    %mul3A = arith.constant 2 : i32
    %mul3A_0 = arith.muli %arg1, %mul3A : i32
    %add3A = arith.addi %mul3A_0, %arg0 : i32
    %mul3A_1 = arith.constant 128 : i32
    %mul3A_2 = arith.muli %add3A, %mul3A_1 : i32
    "tpu.region"() ({
      %run_scoped3A_210 = tpu.sem_alloc : memref<!tpu.dma_semaphore, #tpu.memory_space<semaphore_mem>>
      %dma_start3A_211 = tpu.memref_slice %arg2[%mul3A_2] : memref<4096xi32, #tpu.memory_space<hbm>> -> memref<128xi32, #tpu.memory_space<hbm>>
      %dma_start3A_212 = tpu.memref_slice %arg2[%mul3A_2] : memref<4096xi32, #tpu.memory_space<hbm>> -> memref<128xi32, #tpu.memory_space<hbm>>
      tpu.enqueue_dma source(%dma_start3A_212 : memref<128xi32, #tpu.memory_space<hbm>>) target(%arg8 : memref<128xi32, #tpu.memory_space<vmem>>) target_semaphore(%run_scoped3A_210 : memref<!tpu.dma_semaphore, #tpu.memory_space<semaphore_mem>>)
      %dma_wait3A = tpu.memref_slice %arg2[%mul3A_2] : memref<4096xi32, #tpu.memory_space<hbm>> -> memref<128xi32, #tpu.memory_space<hbm>>
      %dma_wait3A_213 = tpu.memref_slice %arg2[%mul3A_2] : memref<4096xi32, #tpu.memory_space<hbm>> -> memref<128xi32, #tpu.memory_space<hbm>>
      tpu.wait_dma2 semaphore(%run_scoped3A_210 : memref<!tpu.dma_semaphore, #tpu.memory_space<semaphore_mem>>) src(%dma_wait3A_213 : memref<128xi32, #tpu.memory_space<hbm>>) dst(%arg8 : memref<128xi32, #tpu.memory_space<vmem>>)
      tpu.yield
    }) : () -> ()
    "tpu.region"() ({
      %run_scoped3A_210 = tpu.sem_alloc : memref<!tpu.dma_semaphore, #tpu.memory_space<semaphore_mem>>
      %dma_start3A_211 = tpu.memref_slice %arg3[%mul3A_2] : memref<4096xi32, #tpu.memory_space<hbm>> -> memref<128xi32, #tpu.memory_space<hbm>>
      %dma_start3A_212 = tpu.memref_slice %arg3[%mul3A_2] : memref<4096xi32, #tpu.memory_space<hbm>> -> memref<128xi32, #tpu.memory_space<hbm>>
      tpu.enqueue_dma source(%dma_start3A_212 : memref<128xi32, #tpu.memory_space<hbm>>) target(%arg9 : memref<128xi32, #tpu.memory_space<vmem>>) target_semaphore(%run_scoped3A_210 : memref<!tpu.dma_semaphore, #tpu.memory_space<semaphore_mem>>)
      %dma_wait3A = tpu.memref_slice %arg3[%mul3A_2] : memref<4096xi32, #tpu.memory_space<hbm>> -> memref<128xi32, #tpu.memory_space<hbm>>
      %dma_wait3A_213 = tpu.memref_slice %arg3[%mul3A_2] : memref<4096xi32, #tpu.memory_space<hbm>> -> memref<128xi32, #tpu.memory_space<hbm>>
      tpu.wait_dma2 semaphore(%run_scoped3A_210 : memref<!tpu.dma_semaphore, #tpu.memory_space<semaphore_mem>>) src(%dma_wait3A_213 : memref<128xi32, #tpu.memory_space<hbm>>) dst(%arg9 : memref<128xi32, #tpu.memory_space<vmem>>)
      tpu.yield
    }) : () -> ()
    %broadcast_in_dim3A = arith.constant 0 : i32
    %broadcast_in_dim3A_3 = vector.broadcast %broadcast_in_dim3A : i32 to vector<16xi32>
    %gather3A = tpu.vector_load_idx %arg8[%broadcast_in_dim3A_3] : memref<128xi32, #tpu.memory_space<vmem>>[vector<16xi32>], vector<16xi32>,
    %slice3A = vector.extract_strided_slice %gather3A {offsets = [0], sizes = [1], strides = [1]} : vector<16xi32> to vector<1xi32>
    %squeeze3A = vector.extract %slice3A[0] : i32 from vector<1xi32>
    %shift_right_arithmetic3A = arith.constant 7 : i32
    %shift_right_arithmetic3A_4 = arith.shrsi %squeeze3A, %shift_right_arithmetic3A : i32
    %mul3A_5 = arith.constant 128 : i32
    %mul3A_6 = arith.muli %shift_right_arithmetic3A_4, %mul3A_5 : i32
    %multiple_of3A = tpu.assume_multiple %mul3A_6, 128 : i32
    %dma_start3A = arith.constant 0 : i32
    %dma_start3A_7 = arith.constant 0 : i32
    %dma_start3A_8 = arith.constant 0 : i32
    %dma_start3A_9 = arith.constant 0 : i32
    %dma_start3A_10 = tpu.memref_slice %arg10[%dma_start3A, %dma_start3A_8, %dma_start3A_9] : memref<8x64x128xf32, #tpu.memory_space<vmem>> -> memref<1x64x128xf32, #tpu.memory_space<vmem>>
    %dma_start3A_11 = tpu.memref_squeeze %dma_start3A_10 : memref<1x64x128xf32, #tpu.memory_space<vmem>> -> memref<64x128xf32, #tpu.memory_space<vmem>>
    %dma_start3A_12 = arith.constant 0 : i32
    %dma_start3A_13 = tpu.memref_slice %arg4[%dma_start3A_12, %multiple_of3A] : memref<64x1000000xf32, #tpu.memory_space<hbm>> -> memref<64x128xf32, #tpu.memory_space<hbm>>
    %dma_start3A_14 = tpu.memref_slice %arg12[%dma_start3A_7] : memref<8x!tpu.dma_semaphore, #tpu.memory_space<semaphore_mem>> -> memref<1x!tpu.dma_semaphore, #tpu.memory_space<semaphore_mem>>
    %dma_start3A_15 = tpu.memref_squeeze %dma_start3A_14 : memref<1x!tpu.dma_semaphore, #tpu.memory_space<semaphore_mem>> -> memref<!tpu.dma_semaphore, #tpu.memory_space<semaphore_mem>>
    %dma_start3A_16 = arith.constant 0 : i32
    %dma_start3A_17 = arith.constant 0 : i32
    %dma_start3A_18 = tpu.memref_slice %arg10[%dma_start3A, %dma_start3A_16, %dma_start3A_17] : memref<8x64x128xf32, #tpu.memory_space<vmem>> -> memref<1x64x128xf32, #tpu.memory_space<vmem>>
    %dma_start3A_19 = tpu.memref_squeeze %dma_start3A_18 : memref<1x64x128xf32, #tpu.memory_space<vmem>> -> memref<64x128xf32, #tpu.memory_space<vmem>>
    %dma_start3A_20 = arith.constant 0 : i32
    %dma_start3A_21 = tpu.memref_slice %arg4[%dma_start3A_20, %multiple_of3A] : memref<64x1000000xf32, #tpu.memory_space<hbm>> -> memref<64x128xf32, #tpu.memory_space<hbm>>
    tpu.enqueue_dma source(%dma_start3A_21 : memref<64x128xf32, #tpu.memory_space<hbm>>) target(%dma_start3A_19 : memref<64x128xf32, #tpu.memory_space<vmem>>) target_semaphore(%dma_start3A_15 : memref<!tpu.dma_semaphore, #tpu.memory_space<semaphore_mem>>)
    %broadcast_in_dim3A_22 = arith.constant 0 : i32
    %broadcast_in_dim3A_23 = vector.broadcast %broadcast_in_dim3A_22 : i32 to vector<16xi32>
    %gather3A_24 = tpu.vector_load_idx %arg9[%broadcast_in_dim3A_23] : memref<128xi32, #tpu.memory_space<vmem>>[vector<16xi32>], vector<16xi32>,
    %slice3A_25 = vector.extract_strided_slice %gather3A_24 {offsets = [0], sizes = [1], strides = [1]} : vector<16xi32> to vector<1xi32>
    %squeeze3A_26 = vector.extract %slice3A_25[0] : i32 from vector<1xi32>
    %shift_right_arithmetic3A_27 = arith.constant 7 : i32
    %shift_right_arithmetic3A_28 = arith.shrsi %squeeze3A_26, %shift_right_arithmetic3A_27 : i32
    %mul3A_29 = arith.constant 128 : i32
    %mul3A_30 = arith.muli %shift_right_arithmetic3A_28, %mul3A_29 : i32
    %multiple_of3A_31 = tpu.assume_multiple %mul3A_30, 128 : i32
    %dma_start3A_32 = arith.constant 4 : i32
    %dma_start3A_33 = arith.constant 4 : i32
    %dma_start3A_34 = arith.constant 0 : i32
    %dma_start3A_35 = arith.constant 0 : i32
    %dma_start3A_36 = tpu.memref_slice %arg10[%dma_start3A_32, %dma_start3A_34, %dma_start3A_35] : memref<8x64x128xf32, #tpu.memory_space<vmem>> -> memref<1x64x128xf32, #tpu.memory_space<vmem>>
    %dma_start3A_37 = tpu.memref_squeeze %dma_start3A_36 : memref<1x64x128xf32, #tpu.memory_space<vmem>> -> memref<64x128xf32, #tpu.memory_space<vmem>>
    %dma_start3A_38 = arith.constant 0 : i32
    %dma_start3A_39 = tpu.memref_slice %arg5[%dma_start3A_38, %multiple_of3A_31] : memref<64x1000000xf32, #tpu.memory_space<hbm>> -> memref<64x128xf32, #tpu.memory_space<hbm>>
    %dma_start3A_40 = tpu.memref_slice %arg12[%dma_start3A_33] : memref<8x!tpu.dma_semaphore, #tpu.memory_space<semaphore_mem>> -> memref<1x!tpu.dma_semaphore, #tpu.memory_space<semaphore_mem>>
    %dma_start3A_41 = tpu.memref_squeeze %dma_start3A_40 : memref<1x!tpu.dma_semaphore, #tpu.memory_space<semaphore_mem>> -> memref<!tpu.dma_semaphore, #tpu.memory_space<semaphore_mem>>
    %dma_start3A_42 = arith.constant 0 : i32
    %dma_start3A_43 = arith.constant 0 : i32
    %dma_start3A_44 = tpu.memref_slice %arg10[%dma_start3A_32, %dma_start3A_42, %dma_start3A_43] : memref<8x64x128xf32, #tpu.memory_space<vmem>> -> memref<1x64x128xf32, #tpu.memory_space<vmem>>
    %dma_start3A_45 = tpu.memref_squeeze %dma_start3A_44 : memref<1x64x128xf32, #tpu.memory_space<vmem>> -> memref<64x128xf32, #tpu.memory_space<vmem>>
    %dma_start3A_46 = arith.constant 0 : i32
    %dma_start3A_47 = tpu.memref_slice %arg5[%dma_start3A_46, %multiple_of3A_31] : memref<64x1000000xf32, #tpu.memory_space<hbm>> -> memref<64x128xf32, #tpu.memory_space<hbm>>
    tpu.enqueue_dma source(%dma_start3A_47 : memref<64x128xf32, #tpu.memory_space<hbm>>) target(%dma_start3A_45 : memref<64x128xf32, #tpu.memory_space<vmem>>) target_semaphore(%dma_start3A_41 : memref<!tpu.dma_semaphore, #tpu.memory_space<semaphore_mem>>)
    %broadcast_in_dim3A_48 = arith.constant 1 : i32
    %broadcast_in_dim3A_49 = vector.broadcast %broadcast_in_dim3A_48 : i32 to vector<16xi32>
    %gather3A_50 = tpu.vector_load_idx %arg8[%broadcast_in_dim3A_49] : memref<128xi32, #tpu.memory_space<vmem>>[vector<16xi32>], vector<16xi32>,
    %slice3A_51 = vector.extract_strided_slice %gather3A_50 {offsets = [0], sizes = [1], strides = [1]} : vector<16xi32> to vector<1xi32>
    %squeeze3A_52 = vector.extract %slice3A_51[0] : i32 from vector<1xi32>
    %shift_right_arithmetic3A_53 = arith.constant 7 : i32
    %shift_right_arithmetic3A_54 = arith.shrsi %squeeze3A_52, %shift_right_arithmetic3A_53 : i32
    %mul3A_55 = arith.constant 128 : i32
    %mul3A_56 = arith.muli %shift_right_arithmetic3A_54, %mul3A_55 : i32
    %multiple_of3A_57 = tpu.assume_multiple %mul3A_56, 128 : i32
    %dma_start3A_58 = arith.constant 1 : i32
    %dma_start3A_59 = arith.constant 1 : i32
    %dma_start3A_60 = arith.constant 0 : i32
    %dma_start3A_61 = arith.constant 0 : i32
    %dma_start3A_62 = tpu.memref_slice %arg10[%dma_start3A_58, %dma_start3A_60, %dma_start3A_61] : memref<8x64x128xf32, #tpu.memory_space<vmem>> -> memref<1x64x128xf32, #tpu.memory_space<vmem>>
    %dma_start3A_63 = tpu.memref_squeeze %dma_start3A_62 : memref<1x64x128xf32, #tpu.memory_space<vmem>> -> memref<64x128xf32, #tpu.memory_space<vmem>>
    %dma_start3A_64 = arith.constant 0 : i32
    %dma_start3A_65 = tpu.memref_slice %arg4[%dma_start3A_64, %multiple_of3A_57] : memref<64x1000000xf32, #tpu.memory_space<hbm>> -> memref<64x128xf32, #tpu.memory_space<hbm>>
    %dma_start3A_66 = tpu.memref_slice %arg12[%dma_start3A_59] : memref<8x!tpu.dma_semaphore, #tpu.memory_space<semaphore_mem>> -> memref<1x!tpu.dma_semaphore, #tpu.memory_space<semaphore_mem>>
    %dma_start3A_67 = tpu.memref_squeeze %dma_start3A_66 : memref<1x!tpu.dma_semaphore, #tpu.memory_space<semaphore_mem>> -> memref<!tpu.dma_semaphore, #tpu.memory_space<semaphore_mem>>
    %dma_start3A_68 = arith.constant 0 : i32
    %dma_start3A_69 = arith.constant 0 : i32
    %dma_start3A_70 = tpu.memref_slice %arg10[%dma_start3A_58, %dma_start3A_68, %dma_start3A_69] : memref<8x64x128xf32, #tpu.memory_space<vmem>> -> memref<1x64x128xf32, #tpu.memory_space<vmem>>
    %dma_start3A_71 = tpu.memref_squeeze %dma_start3A_70 : memref<1x64x128xf32, #tpu.memory_space<vmem>> -> memref<64x128xf32, #tpu.memory_space<vmem>>
    %dma_start3A_72 = arith.constant 0 : i32
    %dma_start3A_73 = tpu.memref_slice %arg4[%dma_start3A_72, %multiple_of3A_57] : memref<64x1000000xf32, #tpu.memory_space<hbm>> -> memref<64x128xf32, #tpu.memory_space<hbm>>
    tpu.enqueue_dma source(%dma_start3A_73 : memref<64x128xf32, #tpu.memory_space<hbm>>) target(%dma_start3A_71 : memref<64x128xf32, #tpu.memory_space<vmem>>) target_semaphore(%dma_start3A_67 : memref<!tpu.dma_semaphore, #tpu.memory_space<semaphore_mem>>)
    %broadcast_in_dim3A_74 = arith.constant 1 : i32
    %broadcast_in_dim3A_75 = vector.broadcast %broadcast_in_dim3A_74 : i32 to vector<16xi32>
    %gather3A_76 = tpu.vector_load_idx %arg9[%broadcast_in_dim3A_75] : memref<128xi32, #tpu.memory_space<vmem>>[vector<16xi32>], vector<16xi32>,
    %slice3A_77 = vector.extract_strided_slice %gather3A_76 {offsets = [0], sizes = [1], strides = [1]} : vector<16xi32> to vector<1xi32>
    %squeeze3A_78 = vector.extract %slice3A_77[0] : i32 from vector<1xi32>
    %shift_right_arithmetic3A_79 = arith.constant 7 : i32
    %shift_right_arithmetic3A_80 = arith.shrsi %squeeze3A_78, %shift_right_arithmetic3A_79 : i32
    %mul3A_81 = arith.constant 128 : i32
    %mul3A_82 = arith.muli %shift_right_arithmetic3A_80, %mul3A_81 : i32
    %multiple_of3A_83 = tpu.assume_multiple %mul3A_82, 128 : i32
    %dma_start3A_84 = arith.constant 5 : i32
    %dma_start3A_85 = arith.constant 5 : i32
    %dma_start3A_86 = arith.constant 0 : i32
    %dma_start3A_87 = arith.constant 0 : i32
    %dma_start3A_88 = tpu.memref_slice %arg10[%dma_start3A_84, %dma_start3A_86, %dma_start3A_87] : memref<8x64x128xf32, #tpu.memory_space<vmem>> -> memref<1x64x128xf32, #tpu.memory_space<vmem>>
    %dma_start3A_89 = tpu.memref_squeeze %dma_start3A_88 : memref<1x64x128xf32, #tpu.memory_space<vmem>> -> memref<64x128xf32, #tpu.memory_space<vmem>>
    %dma_start3A_90 = arith.constant 0 : i32
    %dma_start3A_91 = tpu.memref_slice %arg5[%dma_start3A_90, %multiple_of3A_83] : memref<64x1000000xf32, #tpu.memory_space<hbm>> -> memref<64x128xf32, #tpu.memory_space<hbm>>
    %dma_start3A_92 = tpu.memref_slice %arg12[%dma_start3A_85] : memref<8x!tpu.dma_semaphore, #tpu.memory_space<semaphore_mem>> -> memref<1x!tpu.dma_semaphore, #tpu.memory_space<semaphore_mem>>
    %dma_start3A_93 = tpu.memref_squeeze %dma_start3A_92 : memref<1x!tpu.dma_semaphore, #tpu.memory_space<semaphore_mem>> -> memref<!tpu.dma_semaphore, #tpu.memory_space<semaphore_mem>>
    %dma_start3A_94 = arith.constant 0 : i32
    %dma_start3A_95 = arith.constant 0 : i32
    %dma_start3A_96 = tpu.memref_slice %arg10[%dma_start3A_84, %dma_start3A_94, %dma_start3A_95] : memref<8x64x128xf32, #tpu.memory_space<vmem>> -> memref<1x64x128xf32, #tpu.memory_space<vmem>>
    %dma_start3A_97 = tpu.memref_squeeze %dma_start3A_96 : memref<1x64x128xf32, #tpu.memory_space<vmem>> -> memref<64x128xf32, #tpu.memory_space<vmem>>
    %dma_start3A_98 = arith.constant 0 : i32
    %dma_start3A_99 = tpu.memref_slice %arg5[%dma_start3A_98, %multiple_of3A_83] : memref<64x1000000xf32, #tpu.memory_space<hbm>> -> memref<64x128xf32, #tpu.memory_space<hbm>>
    tpu.enqueue_dma source(%dma_start3A_99 : memref<64x128xf32, #tpu.memory_space<hbm>>) target(%dma_start3A_97 : memref<64x128xf32, #tpu.memory_space<vmem>>) target_semaphore(%dma_start3A_93 : memref<!tpu.dma_semaphore, #tpu.memory_space<semaphore_mem>>)
    %broadcast_in_dim3A_100 = arith.constant 2 : i32
    %broadcast_in_dim3A_101 = vector.broadcast %broadcast_in_dim3A_100 : i32 to vector<16xi32>
    %gather3A_102 = tpu.vector_load_idx %arg8[%broadcast_in_dim3A_101] : memref<128xi32, #tpu.memory_space<vmem>>[vector<16xi32>], vector<16xi32>,
    %slice3A_103 = vector.extract_strided_slice %gather3A_102 {offsets = [0], sizes = [1], strides = [1]} : vector<16xi32> to vector<1xi32>
    %squeeze3A_104 = vector.extract %slice3A_103[0] : i32 from vector<1xi32>
    %shift_right_arithmetic3A_105 = arith.constant 7 : i32
    %shift_right_arithmetic3A_106 = arith.shrsi %squeeze3A_104, %shift_right_arithmetic3A_105 : i32
    %mul3A_107 = arith.constant 128 : i32
    %mul3A_108 = arith.muli %shift_right_arithmetic3A_106, %mul3A_107 : i32
    %multiple_of3A_109 = tpu.assume_multiple %mul3A_108, 128 : i32
    %dma_start3A_110 = arith.constant 2 : i32
    %dma_start3A_111 = arith.constant 2 : i32
    %dma_start3A_112 = arith.constant 0 : i32
    %dma_start3A_113 = arith.constant 0 : i32
    %dma_start3A_114 = tpu.memref_slice %arg10[%dma_start3A_110, %dma_start3A_112, %dma_start3A_113] : memref<8x64x128xf32, #tpu.memory_space<vmem>> -> memref<1x64x128xf32, #tpu.memory_space<vmem>>
    %dma_start3A_115 = tpu.memref_squeeze %dma_start3A_114 : memref<1x64x128xf32, #tpu.memory_space<vmem>> -> memref<64x128xf32, #tpu.memory_space<vmem>>
    %dma_start3A_116 = arith.constant 0 : i32
    %dma_start3A_117 = tpu.memref_slice %arg4[%dma_start3A_116, %multiple_of3A_109] : memref<64x1000000xf32, #tpu.memory_space<hbm>> -> memref<64x128xf32, #tpu.memory_space<hbm>>
    %dma_start3A_118 = tpu.memref_slice %arg12[%dma_start3A_111] : memref<8x!tpu.dma_semaphore, #tpu.memory_space<semaphore_mem>> -> memref<1x!tpu.dma_semaphore, #tpu.memory_space<semaphore_mem>>
    %dma_start3A_119 = tpu.memref_squeeze %dma_start3A_118 : memref<1x!tpu.dma_semaphore, #tpu.memory_space<semaphore_mem>> -> memref<!tpu.dma_semaphore, #tpu.memory_space<semaphore_mem>>
    %dma_start3A_120 = arith.constant 0 : i32
    %dma_start3A_121 = arith.constant 0 : i32
    %dma_start3A_122 = tpu.memref_slice %arg10[%dma_start3A_110, %dma_start3A_120, %dma_start3A_121] : memref<8x64x128xf32, #tpu.memory_space<vmem>> -> memref<1x64x128xf32, #tpu.memory_space<vmem>>
    %dma_start3A_123 = tpu.memref_squeeze %dma_start3A_122 : memref<1x64x128xf32, #tpu.memory_space<vmem>> -> memref<64x128xf32, #tpu.memory_space<vmem>>
    %dma_start3A_124 = arith.constant 0 : i32
    %dma_start3A_125 = tpu.memref_slice %arg4[%dma_start3A_124, %multiple_of3A_109] : memref<64x1000000xf32, #tpu.memory_space<hbm>> -> memref<64x128xf32, #tpu.memory_space<hbm>>
    tpu.enqueue_dma source(%dma_start3A_125 : memref<64x128xf32, #tpu.memory_space<hbm>>) target(%dma_start3A_123 : memref<64x128xf32, #tpu.memory_space<vmem>>) target_semaphore(%dma_start3A_119 : memref<!tpu.dma_semaphore, #tpu.memory_space<semaphore_mem>>)
    %broadcast_in_dim3A_126 = arith.constant 2 : i32
    %broadcast_in_dim3A_127 = vector.broadcast %broadcast_in_dim3A_126 : i32 to vector<16xi32>
    %gather3A_128 = tpu.vector_load_idx %arg9[%broadcast_in_dim3A_127] : memref<128xi32, #tpu.memory_space<vmem>>[vector<16xi32>], vector<16xi32>,
    %slice3A_129 = vector.extract_strided_slice %gather3A_128 {offsets = [0], sizes = [1], strides = [1]} : vector<16xi32> to vector<1xi32>
    %squeeze3A_130 = vector.extract %slice3A_129[0] : i32 from vector<1xi32>
    %shift_right_arithmetic3A_131 = arith.constant 7 : i32
    %shift_right_arithmetic3A_132 = arith.shrsi %squeeze3A_130, %shift_right_arithmetic3A_131 : i32
    %mul3A_133 = arith.constant 128 : i32
    %mul3A_134 = arith.muli %shift_right_arithmetic3A_132, %mul3A_133 : i32
    %multiple_of3A_135 = tpu.assume_multiple %mul3A_134, 128 : i32
    %dma_start3A_136 = arith.constant 6 : i32
    %dma_start3A_137 = arith.constant 6 : i32
    %dma_start3A_138 = arith.constant 0 : i32
    %dma_start3A_139 = arith.constant 0 : i32
    %dma_start3A_140 = tpu.memref_slice %arg10[%dma_start3A_136, %dma_start3A_138, %dma_start3A_139] : memref<8x64x128xf32, #tpu.memory_space<vmem>> -> memref<1x64x128xf32, #tpu.memory_space<vmem>>
    %dma_start3A_141 = tpu.memref_squeeze %dma_start3A_140 : memref<1x64x128xf32, #tpu.memory_space<vmem>> -> memref<64x128xf32, #tpu.memory_space<vmem>>
    %dma_start3A_142 = arith.constant 0 : i32
    %dma_start3A_143 = tpu.memref_slice %arg5[%dma_start3A_142, %multiple_of3A_135] : memref<64x1000000xf32, #tpu.memory_space<hbm>> -> memref<64x128xf32, #tpu.memory_space<hbm>>
    %dma_start3A_144 = tpu.memref_slice %arg12[%dma_start3A_137] : memref<8x!tpu.dma_semaphore, #tpu.memory_space<semaphore_mem>> -> memref<1x!tpu.dma_semaphore, #tpu.memory_space<semaphore_mem>>
    %dma_start3A_145 = tpu.memref_squeeze %dma_start3A_144 : memref<1x!tpu.dma_semaphore, #tpu.memory_space<semaphore_mem>> -> memref<!tpu.dma_semaphore, #tpu.memory_space<semaphore_mem>>
    %dma_start3A_146 = arith.constant 0 : i32
    %dma_start3A_147 = arith.constant 0 : i32
    %dma_start3A_148 = tpu.memref_slice %arg10[%dma_start3A_136, %dma_start3A_146, %dma_start3A_147] : memref<8x64x128xf32, #tpu.memory_space<vmem>> -> memref<1x64x128xf32, #tpu.memory_space<vmem>>
    %dma_start3A_149 = tpu.memref_squeeze %dma_start3A_148 : memref<1x64x128xf32, #tpu.memory_space<vmem>> -> memref<64x128xf32, #tpu.memory_space<vmem>>
    %dma_start3A_150 = arith.constant 0 : i32
    %dma_start3A_151 = tpu.memref_slice %arg5[%dma_start3A_150, %multiple_of3A_135] : memref<64x1000000xf32, #tpu.memory_space<hbm>> -> memref<64x128xf32, #tpu.memory_space<hbm>>
    tpu.enqueue_dma source(%dma_start3A_151 : memref<64x128xf32, #tpu.memory_space<hbm>>) target(%dma_start3A_149 : memref<64x128xf32, #tpu.memory_space<vmem>>) target_semaphore(%dma_start3A_145 : memref<!tpu.dma_semaphore, #tpu.memory_space<semaphore_mem>>)
    %broadcast_in_dim3A_152 = arith.constant 3 : i32
    %broadcast_in_dim3A_153 = vector.broadcast %broadcast_in_dim3A_152 : i32 to vector<16xi32>
    %gather3A_154 = tpu.vector_load_idx %arg8[%broadcast_in_dim3A_153] : memref<128xi32, #tpu.memory_space<vmem>>[vector<16xi32>], vector<16xi32>,
    %slice3A_155 = vector.extract_strided_slice %gather3A_154 {offsets = [0], sizes = [1], strides = [1]} : vector<16xi32> to vector<1xi32>
    %squeeze3A_156 = vector.extract %slice3A_155[0] : i32 from vector<1xi32>
    %shift_right_arithmetic3A_157 = arith.constant 7 : i32
    %shift_right_arithmetic3A_158 = arith.shrsi %squeeze3A_156, %shift_right_arithmetic3A_157 : i32
    %mul3A_159 = arith.constant 128 : i32
    %mul3A_160 = arith.muli %shift_right_arithmetic3A_158, %mul3A_159 : i32
    %multiple_of3A_161 = tpu.assume_multiple %mul3A_160, 128 : i32
    %dma_start3A_162 = arith.constant 3 : i32
    %dma_start3A_163 = arith.constant 3 : i32
    %dma_start3A_164 = arith.constant 0 : i32
    %dma_start3A_165 = arith.constant 0 : i32
    %dma_start3A_166 = tpu.memref_slice %arg10[%dma_start3A_162, %dma_start3A_164, %dma_start3A_165] : memref<8x64x128xf32, #tpu.memory_space<vmem>> -> memref<1x64x128xf32, #tpu.memory_space<vmem>>
    %dma_start3A_167 = tpu.memref_squeeze %dma_start3A_166 : memref<1x64x128xf32, #tpu.memory_space<vmem>> -> memref<64x128xf32, #tpu.memory_space<vmem>>
    %dma_start3A_168 = arith.constant 0 : i32
    %dma_start3A_169 = tpu.memref_slice %arg4[%dma_start3A_168, %multiple_of3A_161] : memref<64x1000000xf32, #tpu.memory_space<hbm>> -> memref<64x128xf32, #tpu.memory_space<hbm>>
    %dma_start3A_170 = tpu.memref_slice %arg12[%dma_start3A_163] : memref<8x!tpu.dma_semaphore, #tpu.memory_space<semaphore_mem>> -> memref<1x!tpu.dma_semaphore, #tpu.memory_space<semaphore_mem>>
    %dma_start3A_171 = tpu.memref_squeeze %dma_start3A_170 : memref<1x!tpu.dma_semaphore, #tpu.memory_space<semaphore_mem>> -> memref<!tpu.dma_semaphore, #tpu.memory_space<semaphore_mem>>
    %dma_start3A_172 = arith.constant 0 : i32
    %dma_start3A_173 = arith.constant 0 : i32
    %dma_start3A_174 = tpu.memref_slice %arg10[%dma_start3A_162, %dma_start3A_172, %dma_start3A_173] : memref<8x64x128xf32, #tpu.memory_space<vmem>> -> memref<1x64x128xf32, #tpu.memory_space<vmem>>
    %dma_start3A_175 = tpu.memref_squeeze %dma_start3A_174 : memref<1x64x128xf32, #tpu.memory_space<vmem>> -> memref<64x128xf32, #tpu.memory_space<vmem>>
    %dma_start3A_176 = arith.constant 0 : i32
    %dma_start3A_177 = tpu.memref_slice %arg4[%dma_start3A_176, %multiple_of3A_161] : memref<64x1000000xf32, #tpu.memory_space<hbm>> -> memref<64x128xf32, #tpu.memory_space<hbm>>
    tpu.enqueue_dma source(%dma_start3A_177 : memref<64x128xf32, #tpu.memory_space<hbm>>) target(%dma_start3A_175 : memref<64x128xf32, #tpu.memory_space<vmem>>) target_semaphore(%dma_start3A_171 : memref<!tpu.dma_semaphore, #tpu.memory_space<semaphore_mem>>)
    %broadcast_in_dim3A_178 = arith.constant 3 : i32
    %broadcast_in_dim3A_179 = vector.broadcast %broadcast_in_dim3A_178 : i32 to vector<16xi32>
    %gather3A_180 = tpu.vector_load_idx %arg9[%broadcast_in_dim3A_179] : memref<128xi32, #tpu.memory_space<vmem>>[vector<16xi32>], vector<16xi32>,
    %slice3A_181 = vector.extract_strided_slice %gather3A_180 {offsets = [0], sizes = [1], strides = [1]} : vector<16xi32> to vector<1xi32>
    %squeeze3A_182 = vector.extract %slice3A_181[0] : i32 from vector<1xi32>
    %shift_right_arithmetic3A_183 = arith.constant 7 : i32
    %shift_right_arithmetic3A_184 = arith.shrsi %squeeze3A_182, %shift_right_arithmetic3A_183 : i32
    %mul3A_185 = arith.constant 128 : i32
    %mul3A_186 = arith.muli %shift_right_arithmetic3A_184, %mul3A_185 : i32
    %multiple_of3A_187 = tpu.assume_multiple %mul3A_186, 128 : i32
    %dma_start3A_188 = arith.constant 7 : i32
    %dma_start3A_189 = arith.constant 7 : i32
    %dma_start3A_190 = arith.constant 0 : i32
    %dma_start3A_191 = arith.constant 0 : i32
    %dma_start3A_192 = tpu.memref_slice %arg10[%dma_start3A_188, %dma_start3A_190, %dma_start3A_191] : memref<8x64x128xf32, #tpu.memory_space<vmem>> -> memref<1x64x128xf32, #tpu.memory_space<vmem>>
    %dma_start3A_193 = tpu.memref_squeeze %dma_start3A_192 : memref<1x64x128xf32, #tpu.memory_space<vmem>> -> memref<64x128xf32, #tpu.memory_space<vmem>>
    %dma_start3A_194 = arith.constant 0 : i32
    %dma_start3A_195 = tpu.memref_slice %arg5[%dma_start3A_194, %multiple_of3A_187] : memref<64x1000000xf32, #tpu.memory_space<hbm>> -> memref<64x128xf32, #tpu.memory_space<hbm>>
    %dma_start3A_196 = tpu.memref_slice %arg12[%dma_start3A_189] : memref<8x!tpu.dma_semaphore, #tpu.memory_space<semaphore_mem>> -> memref<1x!tpu.dma_semaphore, #tpu.memory_space<semaphore_mem>>
    %dma_start3A_197 = tpu.memref_squeeze %dma_start3A_196 : memref<1x!tpu.dma_semaphore, #tpu.memory_space<semaphore_mem>> -> memref<!tpu.dma_semaphore, #tpu.memory_space<semaphore_mem>>
    %dma_start3A_198 = arith.constant 0 : i32
    %dma_start3A_199 = arith.constant 0 : i32
    %dma_start3A_200 = tpu.memref_slice %arg10[%dma_start3A_188, %dma_start3A_198, %dma_start3A_199] : memref<8x64x128xf32, #tpu.memory_space<vmem>> -> memref<1x64x128xf32, #tpu.memory_space<vmem>>
    %dma_start3A_201 = tpu.memref_squeeze %dma_start3A_200 : memref<1x64x128xf32, #tpu.memory_space<vmem>> -> memref<64x128xf32, #tpu.memory_space<vmem>>
    %dma_start3A_202 = arith.constant 0 : i32
    %dma_start3A_203 = tpu.memref_slice %arg5[%dma_start3A_202, %multiple_of3A_187] : memref<64x1000000xf32, #tpu.memory_space<hbm>> -> memref<64x128xf32, #tpu.memory_space<hbm>>
    tpu.enqueue_dma source(%dma_start3A_203 : memref<64x128xf32, #tpu.memory_space<hbm>>) target(%dma_start3A_201 : memref<64x128xf32, #tpu.memory_space<vmem>>) target_semaphore(%dma_start3A_197 : memref<!tpu.dma_semaphore, #tpu.memory_space<semaphore_mem>>)
    %scan3A = arith.constant 0 : i32
    %scan3A_204 = arith.constant 0 : i32
    %scan3A_205 = arith.constant 32 : i32
    %scan3A_206 = arith.addi %scan3A_204, %scan3A_205 : i32
    %scan3A_207 = arith.constant 1 : i32
    scf.for %scan3A_210 = %scan3A_204 to %scan3A_206 step %scan3A_207  : i32 {
      %mul3A_211 = arith.constant 4 : i32
      %mul3A_212 = arith.muli %scan3A_210, %mul3A_211 : i32
      %add3A_213 = arith.constant 0 : i32
      %add3A_214 = arith.addi %mul3A_212, %add3A_213 : i32
      %dma_wait3A = arith.constant 0 : i32
      %dma_wait3A_215 = arith.constant 0 : i32
      %dma_wait3A_216 = arith.constant 0 : i32
      %dma_wait3A_217 = arith.constant 0 : i32
      %dma_wait3A_218 = tpu.memref_slice %arg10[%dma_wait3A, %dma_wait3A_216, %dma_wait3A_217] : memref<8x64x128xf32, #tpu.memory_space<vmem>> -> memref<1x64x128xf32, #tpu.memory_space<vmem>>
      %dma_wait3A_219 = tpu.memref_squeeze %dma_wait3A_218 : memref<1x64x128xf32, #tpu.memory_space<vmem>> -> memref<64x128xf32, #tpu.memory_space<vmem>>
      %dma_wait3A_220 = arith.constant 0 : i32
      %dma_wait3A_221 = arith.constant 0 : i32
      %dma_wait3A_222 = tpu.memref_slice %arg4[%dma_wait3A_220, %dma_wait3A_221] : memref<64x1000000xf32, #tpu.memory_space<hbm>> -> memref<64x128xf32, #tpu.memory_space<hbm>>
      %dma_wait3A_223 = tpu.memref_slice %arg12[%dma_wait3A_215] : memref<8x!tpu.dma_semaphore, #tpu.memory_space<semaphore_mem>> -> memref<1x!tpu.dma_semaphore, #tpu.memory_space<semaphore_mem>>
      %dma_wait3A_224 = tpu.memref_squeeze %dma_wait3A_223 : memref<1x!tpu.dma_semaphore, #tpu.memory_space<semaphore_mem>> -> memref<!tpu.dma_semaphore, #tpu.memory_space<semaphore_mem>>
      %dma_wait3A_225 = arith.constant 0 : i32
      %dma_wait3A_226 = arith.constant 0 : i32
      %dma_wait3A_227 = tpu.memref_slice %arg10[%dma_wait3A, %dma_wait3A_225, %dma_wait3A_226] : memref<8x64x128xf32, #tpu.memory_space<vmem>> -> memref<1x64x128xf32, #tpu.memory_space<vmem>>
      %dma_wait3A_228 = tpu.memref_squeeze %dma_wait3A_227 : memref<1x64x128xf32, #tpu.memory_space<vmem>> -> memref<64x128xf32, #tpu.memory_space<vmem>>
      %dma_wait3A_229 = arith.constant 0 : i32
      %dma_wait3A_230 = arith.constant 0 : i32
      %dma_wait3A_231 = tpu.memref_slice %arg4[%dma_wait3A_229, %dma_wait3A_230] : memref<64x1000000xf32, #tpu.memory_space<hbm>> -> memref<64x128xf32, #tpu.memory_space<hbm>>
      tpu.wait_dma2 semaphore(%dma_wait3A_224 : memref<!tpu.dma_semaphore, #tpu.memory_space<semaphore_mem>>) src(%dma_wait3A_231 : memref<64x128xf32, #tpu.memory_space<hbm>>) dst(%dma_wait3A_228 : memref<64x128xf32, #tpu.memory_space<vmem>>)
      %broadcast_in_dim3A_232 = vector.broadcast %add3A_214 : i32 to vector<16xi32>
      %gather3A_233 = tpu.vector_load_idx %arg8[%broadcast_in_dim3A_232] : memref<128xi32, #tpu.memory_space<vmem>>[vector<16xi32>], vector<16xi32>,
      %slice3A_234 = vector.extract_strided_slice %gather3A_233 {offsets = [0], sizes = [1], strides = [1]} : vector<16xi32> to vector<1xi32>
      %squeeze3A_235 = vector.extract %slice3A_234[0] : i32 from vector<1xi32>
      %and3A = arith.constant 127 : i32
      %and3A_236 = arith.andi %squeeze3A_235, %and3A : i32
      %broadcast_in_dim3A_237 = vector.broadcast %and3A_236 : i32 to vector<16xi32>
      %iota3A = tpu.iota {dimensions = array<i32: 0>} : vector<16xi32>
      %add3A_238 = arith.constant 0 : i32
      %add3A_239 = vector.broadcast %add3A_238 : i32 to vector<16xi32>
      %add3A_240 = arith.addi %iota3A, %add3A_239 : vector<16xi32>
      %gather3A_241 = arith.constant 0 : i32
      %gather3A_242 = arith.constant 0 : i32
      %gather3A_243 = arith.constant 0 : i32
      %gather3A_244 = tpu.memref_slice %arg10[%gather3A_241, %gather3A_242, %gather3A_243] : memref<8x64x128xf32, #tpu.memory_space<vmem>> -> memref<1x64x128xf32, #tpu.memory_space<vmem>>
      %gather3A_245 = tpu.memref_squeeze %gather3A_244 : memref<1x64x128xf32, #tpu.memory_space<vmem>> -> memref<64x128xf32, #tpu.memory_space<vmem>>
      %gather3A_246 = tpu.vector_load_idx %gather3A_245[%add3A_240, %broadcast_in_dim3A_237] : memref<64x128xf32, #tpu.memory_space<vmem>>[vector<16xi32>, vector<16xi32>], vector<16xf32>,
      %broadcast_in_dim3A_247 = vector.broadcast %add3A_214 : i32 to vector<16xi32>
      %scatter3A = arith.constant 0 : i32
      %scatter3A_248 = arith.constant 0 : i32
      %scatter3A_249 = arith.constant 0 : i32
      %scatter3A_250 = tpu.memref_slice %arg11[%scatter3A, %scatter3A_248, %scatter3A_249] : memref<2x128x64xf32, #tpu.memory_space<vmem>> -> memref<1x128x64xf32, #tpu.memory_space<vmem>>
      %scatter3A_251 = tpu.memref_squeeze %scatter3A_250 : memref<1x128x64xf32, #tpu.memory_space<vmem>> -> memref<128x64xf32, #tpu.memory_space<vmem>>
      tpu.vector_store_idx %scatter3A_251[%broadcast_in_dim3A_247, %add3A_240], %gather3A_246 : memref<128x64xf32, #tpu.memory_space<vmem>>[vector<16xi32>, vector<16xi32>], vector<16xf32>,
      %iota3A_252 = tpu.iota {dimensions = array<i32: 0>} : vector<16xi32>
      %add3A_253 = arith.constant 16 : i32
      %add3A_254 = vector.broadcast %add3A_253 : i32 to vector<16xi32>
      %add3A_255 = arith.addi %iota3A_252, %add3A_254 : vector<16xi32>
      %gather3A_256 = arith.constant 0 : i32
      %gather3A_257 = arith.constant 0 : i32
      %gather3A_258 = arith.constant 0 : i32
      %gather3A_259 = tpu.memref_slice %arg10[%gather3A_256, %gather3A_257, %gather3A_258] : memref<8x64x128xf32, #tpu.memory_space<vmem>> -> memref<1x64x128xf32, #tpu.memory_space<vmem>>
      %gather3A_260 = tpu.memref_squeeze %gather3A_259 : memref<1x64x128xf32, #tpu.memory_space<vmem>> -> memref<64x128xf32, #tpu.memory_space<vmem>>
      %gather3A_261 = tpu.vector_load_idx %gather3A_260[%add3A_255, %broadcast_in_dim3A_237] : memref<64x128xf32, #tpu.memory_space<vmem>>[vector<16xi32>, vector<16xi32>], vector<16xf32>,
      %broadcast_in_dim3A_262 = vector.broadcast %add3A_214 : i32 to vector<16xi32>
      %scatter3A_263 = arith.constant 0 : i32
      %scatter3A_264 = arith.constant 0 : i32
      %scatter3A_265 = arith.constant 0 : i32
      %scatter3A_266 = tpu.memref_slice %arg11[%scatter3A_263, %scatter3A_264, %scatter3A_265] : memref<2x128x64xf32, #tpu.memory_space<vmem>> -> memref<1x128x64xf32, #tpu.memory_space<vmem>>
      %scatter3A_267 = tpu.memref_squeeze %scatter3A_266 : memref<1x128x64xf32, #tpu.memory_space<vmem>> -> memref<128x64xf32, #tpu.memory_space<vmem>>
      tpu.vector_store_idx %scatter3A_267[%broadcast_in_dim3A_262, %add3A_255], %gather3A_261 : memref<128x64xf32, #tpu.memory_space<vmem>>[vector<16xi32>, vector<16xi32>], vector<16xf32>,
      %iota3A_268 = tpu.iota {dimensions = array<i32: 0>} : vector<16xi32>
      %add3A_269 = arith.constant 32 : i32
      %add3A_270 = vector.broadcast %add3A_269 : i32 to vector<16xi32>
      %add3A_271 = arith.addi %iota3A_268, %add3A_270 : vector<16xi32>
      %gather3A_272 = arith.constant 0 : i32
      %gather3A_273 = arith.constant 0 : i32
      %gather3A_274 = arith.constant 0 : i32
      %gather3A_275 = tpu.memref_slice %arg10[%gather3A_272, %gather3A_273, %gather3A_274] : memref<8x64x128xf32, #tpu.memory_space<vmem>> -> memref<1x64x128xf32, #tpu.memory_space<vmem>>
      %gather3A_276 = tpu.memref_squeeze %gather3A_275 : memref<1x64x128xf32, #tpu.memory_space<vmem>> -> memref<64x128xf32, #tpu.memory_space<vmem>>
      %gather3A_277 = tpu.vector_load_idx %gather3A_276[%add3A_271, %broadcast_in_dim3A_237] : memref<64x128xf32, #tpu.memory_space<vmem>>[vector<16xi32>, vector<16xi32>], vector<16xf32>,
      %broadcast_in_dim3A_278 = vector.broadcast %add3A_214 : i32 to vector<16xi32>
      %scatter3A_279 = arith.constant 0 : i32
      %scatter3A_280 = arith.constant 0 : i32
      %scatter3A_281 = arith.constant 0 : i32
      %scatter3A_282 = tpu.memref_slice %arg11[%scatter3A_279, %scatter3A_280, %scatter3A_281] : memref<2x128x64xf32, #tpu.memory_space<vmem>> -> memref<1x128x64xf32, #tpu.memory_space<vmem>>
      %scatter3A_283 = tpu.memref_squeeze %scatter3A_282 : memref<1x128x64xf32, #tpu.memory_space<vmem>> -> memref<128x64xf32, #tpu.memory_space<vmem>>
      tpu.vector_store_idx %scatter3A_283[%broadcast_in_dim3A_278, %add3A_271], %gather3A_277 : memref<128x64xf32, #tpu.memory_space<vmem>>[vector<16xi32>, vector<16xi32>], vector<16xf32>,
      %iota3A_284 = tpu.iota {dimensions = array<i32: 0>} : vector<16xi32>
      %add3A_285 = arith.constant 48 : i32
      %add3A_286 = vector.broadcast %add3A_285 : i32 to vector<16xi32>
      %add3A_287 = arith.addi %iota3A_284, %add3A_286 : vector<16xi32>
      %gather3A_288 = arith.constant 0 : i32
      %gather3A_289 = arith.constant 0 : i32
      %gather3A_290 = arith.constant 0 : i32
      %gather3A_291 = tpu.memref_slice %arg10[%gather3A_288, %gather3A_289, %gather3A_290] : memref<8x64x128xf32, #tpu.memory_space<vmem>> -> memref<1x64x128xf32, #tpu.memory_space<vmem>>
      %gather3A_292 = tpu.memref_squeeze %gather3A_291 : memref<1x64x128xf32, #tpu.memory_space<vmem>> -> memref<64x128xf32, #tpu.memory_space<vmem>>
      %gather3A_293 = tpu.vector_load_idx %gather3A_292[%add3A_287, %broadcast_in_dim3A_237] : memref<64x128xf32, #tpu.memory_space<vmem>>[vector<16xi32>, vector<16xi32>], vector<16xf32>,
      %broadcast_in_dim3A_294 = vector.broadcast %add3A_214 : i32 to vector<16xi32>
      %scatter3A_295 = arith.constant 0 : i32
      %scatter3A_296 = arith.constant 0 : i32
      %scatter3A_297 = arith.constant 0 : i32
      %scatter3A_298 = tpu.memref_slice %arg11[%scatter3A_295, %scatter3A_296, %scatter3A_297] : memref<2x128x64xf32, #tpu.memory_space<vmem>> -> memref<1x128x64xf32, #tpu.memory_space<vmem>>
      %scatter3A_299 = tpu.memref_squeeze %scatter3A_298 : memref<1x128x64xf32, #tpu.memory_space<vmem>> -> memref<128x64xf32, #tpu.memory_space<vmem>>
      tpu.vector_store_idx %scatter3A_299[%broadcast_in_dim3A_294, %add3A_287], %gather3A_293 : memref<128x64xf32, #tpu.memory_space<vmem>>[vector<16xi32>, vector<16xi32>], vector<16xf32>,
      %lt3A = arith.constant 31 : i32
      %lt3A_300 = arith.cmpi slt, %scan3A_210, %lt3A : i32
      %convert_element_type3A = arith.extui %lt3A_300 : i1 to i32
      %cond3A = arith.constant 0 : i32
      %cond3A_301 = arith.cmpi ne, %convert_element_type3A, %cond3A : i32
      scf.if %cond3A_301 {
        %add3A_972 = arith.constant 4 : i32
        %add3A_973 = arith.addi %add3A_214, %add3A_972 : i32
        %broadcast_in_dim3A_974 = vector.broadcast %add3A_973 : i32 to vector<16xi32>
        %gather3A_975 = tpu.vector_load_idx %arg8[%broadcast_in_dim3A_974] : memref<128xi32, #tpu.memory_space<vmem>>[vector<16xi32>], vector<16xi32>,
        %slice3A_976 = vector.extract_strided_slice %gather3A_975 {offsets = [0], sizes = [1], strides = [1]} : vector<16xi32> to vector<1xi32>
        %squeeze3A_977 = vector.extract %slice3A_976[0] : i32 from vector<1xi32>
        %shift_right_arithmetic3A_978 = arith.constant 7 : i32
        %shift_right_arithmetic3A_979 = arith.shrsi %squeeze3A_977, %shift_right_arithmetic3A_978 : i32
        %mul3A_980 = arith.constant 128 : i32
        %mul3A_981 = arith.muli %shift_right_arithmetic3A_979, %mul3A_980 : i32
        %multiple_of3A_982 = tpu.assume_multiple %mul3A_981, 128 : i32
        %dma_start3A_983 = arith.constant 0 : i32
        %dma_start3A_984 = arith.constant 0 : i32
        %dma_start3A_985 = arith.constant 0 : i32
        %dma_start3A_986 = arith.constant 0 : i32
        %dma_start3A_987 = tpu.memref_slice %arg10[%dma_start3A_983, %dma_start3A_985, %dma_start3A_986] : memref<8x64x128xf32, #tpu.memory_space<vmem>> -> memref<1x64x128xf32, #tpu.memory_space<vmem>>
        %dma_start3A_988 = tpu.memref_squeeze %dma_start3A_987 : memref<1x64x128xf32, #tpu.memory_space<vmem>> -> memref<64x128xf32, #tpu.memory_space<vmem>>
        %dma_start3A_989 = arith.constant 0 : i32
        %dma_start3A_990 = tpu.memref_slice %arg4[%dma_start3A_989, %multiple_of3A_982] : memref<64x1000000xf32, #tpu.memory_space<hbm>> -> memref<64x128xf32, #tpu.memory_space<hbm>>
        %dma_start3A_991 = tpu.memref_slice %arg12[%dma_start3A_984] : memref<8x!tpu.dma_semaphore, #tpu.memory_space<semaphore_mem>> -> memref<1x!tpu.dma_semaphore, #tpu.memory_space<semaphore_mem>>
        %dma_start3A_992 = tpu.memref_squeeze %dma_start3A_991 : memref<1x!tpu.dma_semaphore, #tpu.memory_space<semaphore_mem>> -> memref<!tpu.dma_semaphore, #tpu.memory_space<semaphore_mem>>
        %dma_start3A_993 = arith.constant 0 : i32
        %dma_start3A_994 = arith.constant 0 : i32
        %dma_start3A_995 = tpu.memref_slice %arg10[%dma_start3A_983, %dma_start3A_993, %dma_start3A_994] : memref<8x64x128xf32, #tpu.memory_space<vmem>> -> memref<1x64x128xf32, #tpu.memory_space<vmem>>
        %dma_start3A_996 = tpu.memref_squeeze %dma_start3A_995 : memref<1x64x128xf32, #tpu.memory_space<vmem>> -> memref<64x128xf32, #tpu.memory_space<vmem>>
        %dma_start3A_997 = arith.constant 0 : i32
        %dma_start3A_998 = tpu.memref_slice %arg4[%dma_start3A_997, %multiple_of3A_982] : memref<64x1000000xf32, #tpu.memory_space<hbm>> -> memref<64x128xf32, #tpu.memory_space<hbm>>
        tpu.enqueue_dma source(%dma_start3A_998 : memref<64x128xf32, #tpu.memory_space<hbm>>) target(%dma_start3A_996 : memref<64x128xf32, #tpu.memory_space<vmem>>) target_semaphore(%dma_start3A_992 : memref<!tpu.dma_semaphore, #tpu.memory_space<semaphore_mem>>)
      } else {
      }
      %dma_wait3A_302 = arith.constant 4 : i32
      %dma_wait3A_303 = arith.constant 4 : i32
      %dma_wait3A_304 = arith.constant 0 : i32
      %dma_wait3A_305 = arith.constant 0 : i32
      %dma_wait3A_306 = tpu.memref_slice %arg10[%dma_wait3A_302, %dma_wait3A_304, %dma_wait3A_305] : memref<8x64x128xf32, #tpu.memory_space<vmem>> -> memref<1x64x128xf32, #tpu.memory_space<vmem>>
      %dma_wait3A_307 = tpu.memref_squeeze %dma_wait3A_306 : memref<1x64x128xf32, #tpu.memory_space<vmem>> -> memref<64x128xf32, #tpu.memory_space<vmem>>
      %dma_wait3A_308 = arith.constant 0 : i32
      %dma_wait3A_309 = arith.constant 0 : i32
      %dma_wait3A_310 = tpu.memref_slice %arg5[%dma_wait3A_308, %dma_wait3A_309] : memref<64x1000000xf32, #tpu.memory_space<hbm>> -> memref<64x128xf32, #tpu.memory_space<hbm>>
      %dma_wait3A_311 = tpu.memref_slice %arg12[%dma_wait3A_303] : memref<8x!tpu.dma_semaphore, #tpu.memory_space<semaphore_mem>> -> memref<1x!tpu.dma_semaphore, #tpu.memory_space<semaphore_mem>>
      %dma_wait3A_312 = tpu.memref_squeeze %dma_wait3A_311 : memref<1x!tpu.dma_semaphore, #tpu.memory_space<semaphore_mem>> -> memref<!tpu.dma_semaphore, #tpu.memory_space<semaphore_mem>>
      %dma_wait3A_313 = arith.constant 0 : i32
      %dma_wait3A_314 = arith.constant 0 : i32
      %dma_wait3A_315 = tpu.memref_slice %arg10[%dma_wait3A_302, %dma_wait3A_313, %dma_wait3A_314] : memref<8x64x128xf32, #tpu.memory_space<vmem>> -> memref<1x64x128xf32, #tpu.memory_space<vmem>>
      %dma_wait3A_316 = tpu.memref_squeeze %dma_wait3A_315 : memref<1x64x128xf32, #tpu.memory_space<vmem>> -> memref<64x128xf32, #tpu.memory_space<vmem>>
      %dma_wait3A_317 = arith.constant 0 : i32
      %dma_wait3A_318 = arith.constant 0 : i32
      %dma_wait3A_319 = tpu.memref_slice %arg5[%dma_wait3A_317, %dma_wait3A_318] : memref<64x1000000xf32, #tpu.memory_space<hbm>> -> memref<64x128xf32, #tpu.memory_space<hbm>>
      tpu.wait_dma2 semaphore(%dma_wait3A_312 : memref<!tpu.dma_semaphore, #tpu.memory_space<semaphore_mem>>) src(%dma_wait3A_319 : memref<64x128xf32, #tpu.memory_space<hbm>>) dst(%dma_wait3A_316 : memref<64x128xf32, #tpu.memory_space<vmem>>)
      %broadcast_in_dim3A_320 = vector.broadcast %add3A_214 : i32 to vector<16xi32>
      %gather3A_321 = tpu.vector_load_idx %arg9[%broadcast_in_dim3A_320] : memref<128xi32, #tpu.memory_space<vmem>>[vector<16xi32>], vector<16xi32>,
      %slice3A_322 = vector.extract_strided_slice %gather3A_321 {offsets = [0], sizes = [1], strides = [1]} : vector<16xi32> to vector<1xi32>
      %squeeze3A_323 = vector.extract %slice3A_322[0] : i32 from vector<1xi32>
      %and3A_324 = arith.constant 127 : i32
      %and3A_325 = arith.andi %squeeze3A_323, %and3A_324 : i32
      %broadcast_in_dim3A_326 = vector.broadcast %and3A_325 : i32 to vector<16xi32>
      %iota3A_327 = tpu.iota {dimensions = array<i32: 0>} : vector<16xi32>
      %add3A_328 = arith.constant 0 : i32
      %add3A_329 = vector.broadcast %add3A_328 : i32 to vector<16xi32>
      %add3A_330 = arith.addi %iota3A_327, %add3A_329 : vector<16xi32>
      %gather3A_331 = arith.constant 4 : i32
      %gather3A_332 = arith.constant 0 : i32
      %gather3A_333 = arith.constant 0 : i32
      %gather3A_334 = tpu.memref_slice %arg10[%gather3A_331, %gather3A_332, %gather3A_333] : memref<8x64x128xf32, #tpu.memory_space<vmem>> -> memref<1x64x128xf32, #tpu.memory_space<vmem>>
      %gather3A_335 = tpu.memref_squeeze %gather3A_334 : memref<1x64x128xf32, #tpu.memory_space<vmem>> -> memref<64x128xf32, #tpu.memory_space<vmem>>
      %gather3A_336 = tpu.vector_load_idx %gather3A_335[%add3A_330, %broadcast_in_dim3A_326] : memref<64x128xf32, #tpu.memory_space<vmem>>[vector<16xi32>, vector<16xi32>], vector<16xf32>,
      %broadcast_in_dim3A_337 = vector.broadcast %add3A_214 : i32 to vector<16xi32>
      %scatter3A_338 = arith.constant 1 : i32
      %scatter3A_339 = arith.constant 0 : i32
      %scatter3A_340 = arith.constant 0 : i32
      %scatter3A_341 = tpu.memref_slice %arg11[%scatter3A_338, %scatter3A_339, %scatter3A_340] : memref<2x128x64xf32, #tpu.memory_space<vmem>> -> memref<1x128x64xf32, #tpu.memory_space<vmem>>
      %scatter3A_342 = tpu.memref_squeeze %scatter3A_341 : memref<1x128x64xf32, #tpu.memory_space<vmem>> -> memref<128x64xf32, #tpu.memory_space<vmem>>
      tpu.vector_store_idx %scatter3A_342[%broadcast_in_dim3A_337, %add3A_330], %gather3A_336 : memref<128x64xf32, #tpu.memory_space<vmem>>[vector<16xi32>, vector<16xi32>], vector<16xf32>,
      %iota3A_343 = tpu.iota {dimensions = array<i32: 0>} : vector<16xi32>
      %add3A_344 = arith.constant 16 : i32
      %add3A_345 = vector.broadcast %add3A_344 : i32 to vector<16xi32>
      %add3A_346 = arith.addi %iota3A_343, %add3A_345 : vector<16xi32>
      %gather3A_347 = arith.constant 4 : i32
      %gather3A_348 = arith.constant 0 : i32
      %gather3A_349 = arith.constant 0 : i32
      %gather3A_350 = tpu.memref_slice %arg10[%gather3A_347, %gather3A_348, %gather3A_349] : memref<8x64x128xf32, #tpu.memory_space<vmem>> -> memref<1x64x128xf32, #tpu.memory_space<vmem>>
      %gather3A_351 = tpu.memref_squeeze %gather3A_350 : memref<1x64x128xf32, #tpu.memory_space<vmem>> -> memref<64x128xf32, #tpu.memory_space<vmem>>
      %gather3A_352 = tpu.vector_load_idx %gather3A_351[%add3A_346, %broadcast_in_dim3A_326] : memref<64x128xf32, #tpu.memory_space<vmem>>[vector<16xi32>, vector<16xi32>], vector<16xf32>,
      %broadcast_in_dim3A_353 = vector.broadcast %add3A_214 : i32 to vector<16xi32>
      %scatter3A_354 = arith.constant 1 : i32
      %scatter3A_355 = arith.constant 0 : i32
      %scatter3A_356 = arith.constant 0 : i32
      %scatter3A_357 = tpu.memref_slice %arg11[%scatter3A_354, %scatter3A_355, %scatter3A_356] : memref<2x128x64xf32, #tpu.memory_space<vmem>> -> memref<1x128x64xf32, #tpu.memory_space<vmem>>
      %scatter3A_358 = tpu.memref_squeeze %scatter3A_357 : memref<1x128x64xf32, #tpu.memory_space<vmem>> -> memref<128x64xf32, #tpu.memory_space<vmem>>
      tpu.vector_store_idx %scatter3A_358[%broadcast_in_dim3A_353, %add3A_346], %gather3A_352 : memref<128x64xf32, #tpu.memory_space<vmem>>[vector<16xi32>, vector<16xi32>], vector<16xf32>,
      %iota3A_359 = tpu.iota {dimensions = array<i32: 0>} : vector<16xi32>
      %add3A_360 = arith.constant 32 : i32
      %add3A_361 = vector.broadcast %add3A_360 : i32 to vector<16xi32>
      %add3A_362 = arith.addi %iota3A_359, %add3A_361 : vector<16xi32>
      %gather3A_363 = arith.constant 4 : i32
      %gather3A_364 = arith.constant 0 : i32
      %gather3A_365 = arith.constant 0 : i32
      %gather3A_366 = tpu.memref_slice %arg10[%gather3A_363, %gather3A_364, %gather3A_365] : memref<8x64x128xf32, #tpu.memory_space<vmem>> -> memref<1x64x128xf32, #tpu.memory_space<vmem>>
      %gather3A_367 = tpu.memref_squeeze %gather3A_366 : memref<1x64x128xf32, #tpu.memory_space<vmem>> -> memref<64x128xf32, #tpu.memory_space<vmem>>
      %gather3A_368 = tpu.vector_load_idx %gather3A_367[%add3A_362, %broadcast_in_dim3A_326] : memref<64x128xf32, #tpu.memory_space<vmem>>[vector<16xi32>, vector<16xi32>], vector<16xf32>,
      %broadcast_in_dim3A_369 = vector.broadcast %add3A_214 : i32 to vector<16xi32>
      %scatter3A_370 = arith.constant 1 : i32
      %scatter3A_371 = arith.constant 0 : i32
      %scatter3A_372 = arith.constant 0 : i32
      %scatter3A_373 = tpu.memref_slice %arg11[%scatter3A_370, %scatter3A_371, %scatter3A_372] : memref<2x128x64xf32, #tpu.memory_space<vmem>> -> memref<1x128x64xf32, #tpu.memory_space<vmem>>
      %scatter3A_374 = tpu.memref_squeeze %scatter3A_373 : memref<1x128x64xf32, #tpu.memory_space<vmem>> -> memref<128x64xf32, #tpu.memory_space<vmem>>
      tpu.vector_store_idx %scatter3A_374[%broadcast_in_dim3A_369, %add3A_362], %gather3A_368 : memref<128x64xf32, #tpu.memory_space<vmem>>[vector<16xi32>, vector<16xi32>], vector<16xf32>,
      %iota3A_375 = tpu.iota {dimensions = array<i32: 0>} : vector<16xi32>
      %add3A_376 = arith.constant 48 : i32
      %add3A_377 = vector.broadcast %add3A_376 : i32 to vector<16xi32>
      %add3A_378 = arith.addi %iota3A_375, %add3A_377 : vector<16xi32>
      %gather3A_379 = arith.constant 4 : i32
      %gather3A_380 = arith.constant 0 : i32
      %gather3A_381 = arith.constant 0 : i32
      %gather3A_382 = tpu.memref_slice %arg10[%gather3A_379, %gather3A_380, %gather3A_381] : memref<8x64x128xf32, #tpu.memory_space<vmem>> -> memref<1x64x128xf32, #tpu.memory_space<vmem>>
      %gather3A_383 = tpu.memref_squeeze %gather3A_382 : memref<1x64x128xf32, #tpu.memory_space<vmem>> -> memref<64x128xf32, #tpu.memory_space<vmem>>
      %gather3A_384 = tpu.vector_load_idx %gather3A_383[%add3A_378, %broadcast_in_dim3A_326] : memref<64x128xf32, #tpu.memory_space<vmem>>[vector<16xi32>, vector<16xi32>], vector<16xf32>,
      %broadcast_in_dim3A_385 = vector.broadcast %add3A_214 : i32 to vector<16xi32>
      %scatter3A_386 = arith.constant 1 : i32
      %scatter3A_387 = arith.constant 0 : i32
      %scatter3A_388 = arith.constant 0 : i32
      %scatter3A_389 = tpu.memref_slice %arg11[%scatter3A_386, %scatter3A_387, %scatter3A_388] : memref<2x128x64xf32, #tpu.memory_space<vmem>> -> memref<1x128x64xf32, #tpu.memory_space<vmem>>
      %scatter3A_390 = tpu.memref_squeeze %scatter3A_389 : memref<1x128x64xf32, #tpu.memory_space<vmem>> -> memref<128x64xf32, #tpu.memory_space<vmem>>
      tpu.vector_store_idx %scatter3A_390[%broadcast_in_dim3A_385, %add3A_378], %gather3A_384 : memref<128x64xf32, #tpu.memory_space<vmem>>[vector<16xi32>, vector<16xi32>], vector<16xf32>,
      %lt3A_391 = arith.constant 31 : i32
      %lt3A_392 = arith.cmpi slt, %scan3A_210, %lt3A_391 : i32
      %convert_element_type3A_393 = arith.extui %lt3A_392 : i1 to i32
      %cond3A_394 = arith.constant 0 : i32
      %cond3A_395 = arith.cmpi ne, %convert_element_type3A_393, %cond3A_394 : i32
      scf.if %cond3A_395 {
        %add3A_972 = arith.constant 4 : i32
        %add3A_973 = arith.addi %add3A_214, %add3A_972 : i32
        %broadcast_in_dim3A_974 = vector.broadcast %add3A_973 : i32 to vector<16xi32>
        %gather3A_975 = tpu.vector_load_idx %arg9[%broadcast_in_dim3A_974] : memref<128xi32, #tpu.memory_space<vmem>>[vector<16xi32>], vector<16xi32>,
        %slice3A_976 = vector.extract_strided_slice %gather3A_975 {offsets = [0], sizes = [1], strides = [1]} : vector<16xi32> to vector<1xi32>
        %squeeze3A_977 = vector.extract %slice3A_976[0] : i32 from vector<1xi32>
        %shift_right_arithmetic3A_978 = arith.constant 7 : i32
        %shift_right_arithmetic3A_979 = arith.shrsi %squeeze3A_977, %shift_right_arithmetic3A_978 : i32
        %mul3A_980 = arith.constant 128 : i32
        %mul3A_981 = arith.muli %shift_right_arithmetic3A_979, %mul3A_980 : i32
        %multiple_of3A_982 = tpu.assume_multiple %mul3A_981, 128 : i32
        %dma_start3A_983 = arith.constant 4 : i32
        %dma_start3A_984 = arith.constant 4 : i32
        %dma_start3A_985 = arith.constant 0 : i32
        %dma_start3A_986 = arith.constant 0 : i32
        %dma_start3A_987 = tpu.memref_slice %arg10[%dma_start3A_983, %dma_start3A_985, %dma_start3A_986] : memref<8x64x128xf32, #tpu.memory_space<vmem>> -> memref<1x64x128xf32, #tpu.memory_space<vmem>>
        %dma_start3A_988 = tpu.memref_squeeze %dma_start3A_987 : memref<1x64x128xf32, #tpu.memory_space<vmem>> -> memref<64x128xf32, #tpu.memory_space<vmem>>
        %dma_start3A_989 = arith.constant 0 : i32
        %dma_start3A_990 = tpu.memref_slice %arg5[%dma_start3A_989, %multiple_of3A_982] : memref<64x1000000xf32, #tpu.memory_space<hbm>> -> memref<64x128xf32, #tpu.memory_space<hbm>>
        %dma_start3A_991 = tpu.memref_slice %arg12[%dma_start3A_984] : memref<8x!tpu.dma_semaphore, #tpu.memory_space<semaphore_mem>> -> memref<1x!tpu.dma_semaphore, #tpu.memory_space<semaphore_mem>>
        %dma_start3A_992 = tpu.memref_squeeze %dma_start3A_991 : memref<1x!tpu.dma_semaphore, #tpu.memory_space<semaphore_mem>> -> memref<!tpu.dma_semaphore, #tpu.memory_space<semaphore_mem>>
        %dma_start3A_993 = arith.constant 0 : i32
        %dma_start3A_994 = arith.constant 0 : i32
        %dma_start3A_995 = tpu.memref_slice %arg10[%dma_start3A_983, %dma_start3A_993, %dma_start3A_994] : memref<8x64x128xf32, #tpu.memory_space<vmem>> -> memref<1x64x128xf32, #tpu.memory_space<vmem>>
        %dma_start3A_996 = tpu.memref_squeeze %dma_start3A_995 : memref<1x64x128xf32, #tpu.memory_space<vmem>> -> memref<64x128xf32, #tpu.memory_space<vmem>>
        %dma_start3A_997 = arith.constant 0 : i32
        %dma_start3A_998 = tpu.memref_slice %arg5[%dma_start3A_997, %multiple_of3A_982] : memref<64x1000000xf32, #tpu.memory_space<hbm>> -> memref<64x128xf32, #tpu.memory_space<hbm>>
        tpu.enqueue_dma source(%dma_start3A_998 : memref<64x128xf32, #tpu.memory_space<hbm>>) target(%dma_start3A_996 : memref<64x128xf32, #tpu.memory_space<vmem>>) target_semaphore(%dma_start3A_992 : memref<!tpu.dma_semaphore, #tpu.memory_space<semaphore_mem>>)
      } else {
      }
      %mul3A_396 = arith.constant 4 : i32
      %mul3A_397 = arith.muli %scan3A_210, %mul3A_396 : i32
      %add3A_398 = arith.constant 1 : i32
      %add3A_399 = arith.addi %mul3A_397, %add3A_398 : i32
      %dma_wait3A_400 = arith.constant 1 : i32
      %dma_wait3A_401 = arith.constant 1 : i32
      %dma_wait3A_402 = arith.constant 0 : i32
      %dma_wait3A_403 = arith.constant 0 : i32
      %dma_wait3A_404 = tpu.memref_slice %arg10[%dma_wait3A_400, %dma_wait3A_402, %dma_wait3A_403] : memref<8x64x128xf32, #tpu.memory_space<vmem>> -> memref<1x64x128xf32, #tpu.memory_space<vmem>>
      %dma_wait3A_405 = tpu.memref_squeeze %dma_wait3A_404 : memref<1x64x128xf32, #tpu.memory_space<vmem>> -> memref<64x128xf32, #tpu.memory_space<vmem>>
      %dma_wait3A_406 = arith.constant 0 : i32
      %dma_wait3A_407 = arith.constant 0 : i32
      %dma_wait3A_408 = tpu.memref_slice %arg4[%dma_wait3A_406, %dma_wait3A_407] : memref<64x1000000xf32, #tpu.memory_space<hbm>> -> memref<64x128xf32, #tpu.memory_space<hbm>>
      %dma_wait3A_409 = tpu.memref_slice %arg12[%dma_wait3A_401] : memref<8x!tpu.dma_semaphore, #tpu.memory_space<semaphore_mem>> -> memref<1x!tpu.dma_semaphore, #tpu.memory_space<semaphore_mem>>
      %dma_wait3A_410 = tpu.memref_squeeze %dma_wait3A_409 : memref<1x!tpu.dma_semaphore, #tpu.memory_space<semaphore_mem>> -> memref<!tpu.dma_semaphore, #tpu.memory_space<semaphore_mem>>
      %dma_wait3A_411 = arith.constant 0 : i32
      %dma_wait3A_412 = arith.constant 0 : i32
      %dma_wait3A_413 = tpu.memref_slice %arg10[%dma_wait3A_400, %dma_wait3A_411, %dma_wait3A_412] : memref<8x64x128xf32, #tpu.memory_space<vmem>> -> memref<1x64x128xf32, #tpu.memory_space<vmem>>
      %dma_wait3A_414 = tpu.memref_squeeze %dma_wait3A_413 : memref<1x64x128xf32, #tpu.memory_space<vmem>> -> memref<64x128xf32, #tpu.memory_space<vmem>>
      %dma_wait3A_415 = arith.constant 0 : i32
      %dma_wait3A_416 = arith.constant 0 : i32
      %dma_wait3A_417 = tpu.memref_slice %arg4[%dma_wait3A_415, %dma_wait3A_416] : memref<64x1000000xf32, #tpu.memory_space<hbm>> -> memref<64x128xf32, #tpu.memory_space<hbm>>
      tpu.wait_dma2 semaphore(%dma_wait3A_410 : memref<!tpu.dma_semaphore, #tpu.memory_space<semaphore_mem>>) src(%dma_wait3A_417 : memref<64x128xf32, #tpu.memory_space<hbm>>) dst(%dma_wait3A_414 : memref<64x128xf32, #tpu.memory_space<vmem>>)
      %broadcast_in_dim3A_418 = vector.broadcast %add3A_399 : i32 to vector<16xi32>
      %gather3A_419 = tpu.vector_load_idx %arg8[%broadcast_in_dim3A_418] : memref<128xi32, #tpu.memory_space<vmem>>[vector<16xi32>], vector<16xi32>,
      %slice3A_420 = vector.extract_strided_slice %gather3A_419 {offsets = [0], sizes = [1], strides = [1]} : vector<16xi32> to vector<1xi32>
      %squeeze3A_421 = vector.extract %slice3A_420[0] : i32 from vector<1xi32>
      %and3A_422 = arith.constant 127 : i32
      %and3A_423 = arith.andi %squeeze3A_421, %and3A_422 : i32
      %broadcast_in_dim3A_424 = vector.broadcast %and3A_423 : i32 to vector<16xi32>
      %iota3A_425 = tpu.iota {dimensions = array<i32: 0>} : vector<16xi32>
      %add3A_426 = arith.constant 0 : i32
      %add3A_427 = vector.broadcast %add3A_426 : i32 to vector<16xi32>
      %add3A_428 = arith.addi %iota3A_425, %add3A_427 : vector<16xi32>
      %gather3A_429 = arith.constant 1 : i32
      %gather3A_430 = arith.constant 0 : i32
      %gather3A_431 = arith.constant 0 : i32
      %gather3A_432 = tpu.memref_slice %arg10[%gather3A_429, %gather3A_430, %gather3A_431] : memref<8x64x128xf32, #tpu.memory_space<vmem>> -> memref<1x64x128xf32, #tpu.memory_space<vmem>>
      %gather3A_433 = tpu.memref_squeeze %gather3A_432 : memref<1x64x128xf32, #tpu.memory_space<vmem>> -> memref<64x128xf32, #tpu.memory_space<vmem>>
      %gather3A_434 = tpu.vector_load_idx %gather3A_433[%add3A_428, %broadcast_in_dim3A_424] : memref<64x128xf32, #tpu.memory_space<vmem>>[vector<16xi32>, vector<16xi32>], vector<16xf32>,
      %broadcast_in_dim3A_435 = vector.broadcast %add3A_399 : i32 to vector<16xi32>
      %scatter3A_436 = arith.constant 0 : i32
      %scatter3A_437 = arith.constant 0 : i32
      %scatter3A_438 = arith.constant 0 : i32
      %scatter3A_439 = tpu.memref_slice %arg11[%scatter3A_436, %scatter3A_437, %scatter3A_438] : memref<2x128x64xf32, #tpu.memory_space<vmem>> -> memref<1x128x64xf32, #tpu.memory_space<vmem>>
      %scatter3A_440 = tpu.memref_squeeze %scatter3A_439 : memref<1x128x64xf32, #tpu.memory_space<vmem>> -> memref<128x64xf32, #tpu.memory_space<vmem>>
      tpu.vector_store_idx %scatter3A_440[%broadcast_in_dim3A_435, %add3A_428], %gather3A_434 : memref<128x64xf32, #tpu.memory_space<vmem>>[vector<16xi32>, vector<16xi32>], vector<16xf32>,
      %iota3A_441 = tpu.iota {dimensions = array<i32: 0>} : vector<16xi32>
      %add3A_442 = arith.constant 16 : i32
      %add3A_443 = vector.broadcast %add3A_442 : i32 to vector<16xi32>
      %add3A_444 = arith.addi %iota3A_441, %add3A_443 : vector<16xi32>
      %gather3A_445 = arith.constant 1 : i32
      %gather3A_446 = arith.constant 0 : i32
      %gather3A_447 = arith.constant 0 : i32
      %gather3A_448 = tpu.memref_slice %arg10[%gather3A_445, %gather3A_446, %gather3A_447] : memref<8x64x128xf32, #tpu.memory_space<vmem>> -> memref<1x64x128xf32, #tpu.memory_space<vmem>>
      %gather3A_449 = tpu.memref_squeeze %gather3A_448 : memref<1x64x128xf32, #tpu.memory_space<vmem>> -> memref<64x128xf32, #tpu.memory_space<vmem>>
      %gather3A_450 = tpu.vector_load_idx %gather3A_449[%add3A_444, %broadcast_in_dim3A_424] : memref<64x128xf32, #tpu.memory_space<vmem>>[vector<16xi32>, vector<16xi32>], vector<16xf32>,
      %broadcast_in_dim3A_451 = vector.broadcast %add3A_399 : i32 to vector<16xi32>
      %scatter3A_452 = arith.constant 0 : i32
      %scatter3A_453 = arith.constant 0 : i32
      %scatter3A_454 = arith.constant 0 : i32
      %scatter3A_455 = tpu.memref_slice %arg11[%scatter3A_452, %scatter3A_453, %scatter3A_454] : memref<2x128x64xf32, #tpu.memory_space<vmem>> -> memref<1x128x64xf32, #tpu.memory_space<vmem>>
      %scatter3A_456 = tpu.memref_squeeze %scatter3A_455 : memref<1x128x64xf32, #tpu.memory_space<vmem>> -> memref<128x64xf32, #tpu.memory_space<vmem>>
      tpu.vector_store_idx %scatter3A_456[%broadcast_in_dim3A_451, %add3A_444], %gather3A_450 : memref<128x64xf32, #tpu.memory_space<vmem>>[vector<16xi32>, vector<16xi32>], vector<16xf32>,
      %iota3A_457 = tpu.iota {dimensions = array<i32: 0>} : vector<16xi32>
      %add3A_458 = arith.constant 32 : i32
      %add3A_459 = vector.broadcast %add3A_458 : i32 to vector<16xi32>
      %add3A_460 = arith.addi %iota3A_457, %add3A_459 : vector<16xi32>
      %gather3A_461 = arith.constant 1 : i32
      %gather3A_462 = arith.constant 0 : i32
      %gather3A_463 = arith.constant 0 : i32
      %gather3A_464 = tpu.memref_slice %arg10[%gather3A_461, %gather3A_462, %gather3A_463] : memref<8x64x128xf32, #tpu.memory_space<vmem>> -> memref<1x64x128xf32, #tpu.memory_space<vmem>>
      %gather3A_465 = tpu.memref_squeeze %gather3A_464 : memref<1x64x128xf32, #tpu.memory_space<vmem>> -> memref<64x128xf32, #tpu.memory_space<vmem>>
      %gather3A_466 = tpu.vector_load_idx %gather3A_465[%add3A_460, %broadcast_in_dim3A_424] : memref<64x128xf32, #tpu.memory_space<vmem>>[vector<16xi32>, vector<16xi32>], vector<16xf32>,
      %broadcast_in_dim3A_467 = vector.broadcast %add3A_399 : i32 to vector<16xi32>
      %scatter3A_468 = arith.constant 0 : i32
      %scatter3A_469 = arith.constant 0 : i32
      %scatter3A_470 = arith.constant 0 : i32
      %scatter3A_471 = tpu.memref_slice %arg11[%scatter3A_468, %scatter3A_469, %scatter3A_470] : memref<2x128x64xf32, #tpu.memory_space<vmem>> -> memref<1x128x64xf32, #tpu.memory_space<vmem>>
      %scatter3A_472 = tpu.memref_squeeze %scatter3A_471 : memref<1x128x64xf32, #tpu.memory_space<vmem>> -> memref<128x64xf32, #tpu.memory_space<vmem>>
      tpu.vector_store_idx %scatter3A_472[%broadcast_in_dim3A_467, %add3A_460], %gather3A_466 : memref<128x64xf32, #tpu.memory_space<vmem>>[vector<16xi32>, vector<16xi32>], vector<16xf32>,
      %iota3A_473 = tpu.iota {dimensions = array<i32: 0>} : vector<16xi32>
      %add3A_474 = arith.constant 48 : i32
      %add3A_475 = vector.broadcast %add3A_474 : i32 to vector<16xi32>
      %add3A_476 = arith.addi %iota3A_473, %add3A_475 : vector<16xi32>
      %gather3A_477 = arith.constant 1 : i32
      %gather3A_478 = arith.constant 0 : i32
      %gather3A_479 = arith.constant 0 : i32
      %gather3A_480 = tpu.memref_slice %arg10[%gather3A_477, %gather3A_478, %gather3A_479] : memref<8x64x128xf32, #tpu.memory_space<vmem>> -> memref<1x64x128xf32, #tpu.memory_space<vmem>>
      %gather3A_481 = tpu.memref_squeeze %gather3A_480 : memref<1x64x128xf32, #tpu.memory_space<vmem>> -> memref<64x128xf32, #tpu.memory_space<vmem>>
      %gather3A_482 = tpu.vector_load_idx %gather3A_481[%add3A_476, %broadcast_in_dim3A_424] : memref<64x128xf32, #tpu.memory_space<vmem>>[vector<16xi32>, vector<16xi32>], vector<16xf32>,
      %broadcast_in_dim3A_483 = vector.broadcast %add3A_399 : i32 to vector<16xi32>
      %scatter3A_484 = arith.constant 0 : i32
      %scatter3A_485 = arith.constant 0 : i32
      %scatter3A_486 = arith.constant 0 : i32
      %scatter3A_487 = tpu.memref_slice %arg11[%scatter3A_484, %scatter3A_485, %scatter3A_486] : memref<2x128x64xf32, #tpu.memory_space<vmem>> -> memref<1x128x64xf32, #tpu.memory_space<vmem>>
      %scatter3A_488 = tpu.memref_squeeze %scatter3A_487 : memref<1x128x64xf32, #tpu.memory_space<vmem>> -> memref<128x64xf32, #tpu.memory_space<vmem>>
      tpu.vector_store_idx %scatter3A_488[%broadcast_in_dim3A_483, %add3A_476], %gather3A_482 : memref<128x64xf32, #tpu.memory_space<vmem>>[vector<16xi32>, vector<16xi32>], vector<16xf32>,
      %lt3A_489 = arith.constant 31 : i32
      %lt3A_490 = arith.cmpi slt, %scan3A_210, %lt3A_489 : i32
      %convert_element_type3A_491 = arith.extui %lt3A_490 : i1 to i32
      %cond3A_492 = arith.constant 0 : i32
      %cond3A_493 = arith.cmpi ne, %convert_element_type3A_491, %cond3A_492 : i32
      scf.if %cond3A_493 {
        %add3A_972 = arith.constant 4 : i32
        %add3A_973 = arith.addi %add3A_399, %add3A_972 : i32
        %broadcast_in_dim3A_974 = vector.broadcast %add3A_973 : i32 to vector<16xi32>
        %gather3A_975 = tpu.vector_load_idx %arg8[%broadcast_in_dim3A_974] : memref<128xi32, #tpu.memory_space<vmem>>[vector<16xi32>], vector<16xi32>,
        %slice3A_976 = vector.extract_strided_slice %gather3A_975 {offsets = [0], sizes = [1], strides = [1]} : vector<16xi32> to vector<1xi32>
        %squeeze3A_977 = vector.extract %slice3A_976[0] : i32 from vector<1xi32>
        %shift_right_arithmetic3A_978 = arith.constant 7 : i32
        %shift_right_arithmetic3A_979 = arith.shrsi %squeeze3A_977, %shift_right_arithmetic3A_978 : i32
        %mul3A_980 = arith.constant 128 : i32
        %mul3A_981 = arith.muli %shift_right_arithmetic3A_979, %mul3A_980 : i32
        %multiple_of3A_982 = tpu.assume_multiple %mul3A_981, 128 : i32
        %dma_start3A_983 = arith.constant 1 : i32
        %dma_start3A_984 = arith.constant 1 : i32
        %dma_start3A_985 = arith.constant 0 : i32
        %dma_start3A_986 = arith.constant 0 : i32
        %dma_start3A_987 = tpu.memref_slice %arg10[%dma_start3A_983, %dma_start3A_985, %dma_start3A_986] : memref<8x64x128xf32, #tpu.memory_space<vmem>> -> memref<1x64x128xf32, #tpu.memory_space<vmem>>
        %dma_start3A_988 = tpu.memref_squeeze %dma_start3A_987 : memref<1x64x128xf32, #tpu.memory_space<vmem>> -> memref<64x128xf32, #tpu.memory_space<vmem>>
        %dma_start3A_989 = arith.constant 0 : i32
        %dma_start3A_990 = tpu.memref_slice %arg4[%dma_start3A_989, %multiple_of3A_982] : memref<64x1000000xf32, #tpu.memory_space<hbm>> -> memref<64x128xf32, #tpu.memory_space<hbm>>
        %dma_start3A_991 = tpu.memref_slice %arg12[%dma_start3A_984] : memref<8x!tpu.dma_semaphore, #tpu.memory_space<semaphore_mem>> -> memref<1x!tpu.dma_semaphore, #tpu.memory_space<semaphore_mem>>
        %dma_start3A_992 = tpu.memref_squeeze %dma_start3A_991 : memref<1x!tpu.dma_semaphore, #tpu.memory_space<semaphore_mem>> -> memref<!tpu.dma_semaphore, #tpu.memory_space<semaphore_mem>>
        %dma_start3A_993 = arith.constant 0 : i32
        %dma_start3A_994 = arith.constant 0 : i32
        %dma_start3A_995 = tpu.memref_slice %arg10[%dma_start3A_983, %dma_start3A_993, %dma_start3A_994] : memref<8x64x128xf32, #tpu.memory_space<vmem>> -> memref<1x64x128xf32, #tpu.memory_space<vmem>>
        %dma_start3A_996 = tpu.memref_squeeze %dma_start3A_995 : memref<1x64x128xf32, #tpu.memory_space<vmem>> -> memref<64x128xf32, #tpu.memory_space<vmem>>
        %dma_start3A_997 = arith.constant 0 : i32
        %dma_start3A_998 = tpu.memref_slice %arg4[%dma_start3A_997, %multiple_of3A_982] : memref<64x1000000xf32, #tpu.memory_space<hbm>> -> memref<64x128xf32, #tpu.memory_space<hbm>>
        tpu.enqueue_dma source(%dma_start3A_998 : memref<64x128xf32, #tpu.memory_space<hbm>>) target(%dma_start3A_996 : memref<64x128xf32, #tpu.memory_space<vmem>>) target_semaphore(%dma_start3A_992 : memref<!tpu.dma_semaphore, #tpu.memory_space<semaphore_mem>>)
      } else {
      }
      %dma_wait3A_494 = arith.constant 5 : i32
      %dma_wait3A_495 = arith.constant 5 : i32
      %dma_wait3A_496 = arith.constant 0 : i32
      %dma_wait3A_497 = arith.constant 0 : i32
      %dma_wait3A_498 = tpu.memref_slice %arg10[%dma_wait3A_494, %dma_wait3A_496, %dma_wait3A_497] : memref<8x64x128xf32, #tpu.memory_space<vmem>> -> memref<1x64x128xf32, #tpu.memory_space<vmem>>
      %dma_wait3A_499 = tpu.memref_squeeze %dma_wait3A_498 : memref<1x64x128xf32, #tpu.memory_space<vmem>> -> memref<64x128xf32, #tpu.memory_space<vmem>>
      %dma_wait3A_500 = arith.constant 0 : i32
      %dma_wait3A_501 = arith.constant 0 : i32
      %dma_wait3A_502 = tpu.memref_slice %arg5[%dma_wait3A_500, %dma_wait3A_501] : memref<64x1000000xf32, #tpu.memory_space<hbm>> -> memref<64x128xf32, #tpu.memory_space<hbm>>
      %dma_wait3A_503 = tpu.memref_slice %arg12[%dma_wait3A_495] : memref<8x!tpu.dma_semaphore, #tpu.memory_space<semaphore_mem>> -> memref<1x!tpu.dma_semaphore, #tpu.memory_space<semaphore_mem>>
      %dma_wait3A_504 = tpu.memref_squeeze %dma_wait3A_503 : memref<1x!tpu.dma_semaphore, #tpu.memory_space<semaphore_mem>> -> memref<!tpu.dma_semaphore, #tpu.memory_space<semaphore_mem>>
      %dma_wait3A_505 = arith.constant 0 : i32
      %dma_wait3A_506 = arith.constant 0 : i32
      %dma_wait3A_507 = tpu.memref_slice %arg10[%dma_wait3A_494, %dma_wait3A_505, %dma_wait3A_506] : memref<8x64x128xf32, #tpu.memory_space<vmem>> -> memref<1x64x128xf32, #tpu.memory_space<vmem>>
      %dma_wait3A_508 = tpu.memref_squeeze %dma_wait3A_507 : memref<1x64x128xf32, #tpu.memory_space<vmem>> -> memref<64x128xf32, #tpu.memory_space<vmem>>
      %dma_wait3A_509 = arith.constant 0 : i32
      %dma_wait3A_510 = arith.constant 0 : i32
      %dma_wait3A_511 = tpu.memref_slice %arg5[%dma_wait3A_509, %dma_wait3A_510] : memref<64x1000000xf32, #tpu.memory_space<hbm>> -> memref<64x128xf32, #tpu.memory_space<hbm>>
      tpu.wait_dma2 semaphore(%dma_wait3A_504 : memref<!tpu.dma_semaphore, #tpu.memory_space<semaphore_mem>>) src(%dma_wait3A_511 : memref<64x128xf32, #tpu.memory_space<hbm>>) dst(%dma_wait3A_508 : memref<64x128xf32, #tpu.memory_space<vmem>>)
      %broadcast_in_dim3A_512 = vector.broadcast %add3A_399 : i32 to vector<16xi32>
      %gather3A_513 = tpu.vector_load_idx %arg9[%broadcast_in_dim3A_512] : memref<128xi32, #tpu.memory_space<vmem>>[vector<16xi32>], vector<16xi32>,
      %slice3A_514 = vector.extract_strided_slice %gather3A_513 {offsets = [0], sizes = [1], strides = [1]} : vector<16xi32> to vector<1xi32>
      %squeeze3A_515 = vector.extract %slice3A_514[0] : i32 from vector<1xi32>
      %and3A_516 = arith.constant 127 : i32
      %and3A_517 = arith.andi %squeeze3A_515, %and3A_516 : i32
      %broadcast_in_dim3A_518 = vector.broadcast %and3A_517 : i32 to vector<16xi32>
      %iota3A_519 = tpu.iota {dimensions = array<i32: 0>} : vector<16xi32>
      %add3A_520 = arith.constant 0 : i32
      %add3A_521 = vector.broadcast %add3A_520 : i32 to vector<16xi32>
      %add3A_522 = arith.addi %iota3A_519, %add3A_521 : vector<16xi32>
      %gather3A_523 = arith.constant 5 : i32
      %gather3A_524 = arith.constant 0 : i32
      %gather3A_525 = arith.constant 0 : i32
      %gather3A_526 = tpu.memref_slice %arg10[%gather3A_523, %gather3A_524, %gather3A_525] : memref<8x64x128xf32, #tpu.memory_space<vmem>> -> memref<1x64x128xf32, #tpu.memory_space<vmem>>
      %gather3A_527 = tpu.memref_squeeze %gather3A_526 : memref<1x64x128xf32, #tpu.memory_space<vmem>> -> memref<64x128xf32, #tpu.memory_space<vmem>>
      %gather3A_528 = tpu.vector_load_idx %gather3A_527[%add3A_522, %broadcast_in_dim3A_518] : memref<64x128xf32, #tpu.memory_space<vmem>>[vector<16xi32>, vector<16xi32>], vector<16xf32>,
      %broadcast_in_dim3A_529 = vector.broadcast %add3A_399 : i32 to vector<16xi32>
      %scatter3A_530 = arith.constant 1 : i32
      %scatter3A_531 = arith.constant 0 : i32
      %scatter3A_532 = arith.constant 0 : i32
      %scatter3A_533 = tpu.memref_slice %arg11[%scatter3A_530, %scatter3A_531, %scatter3A_532] : memref<2x128x64xf32, #tpu.memory_space<vmem>> -> memref<1x128x64xf32, #tpu.memory_space<vmem>>
      %scatter3A_534 = tpu.memref_squeeze %scatter3A_533 : memref<1x128x64xf32, #tpu.memory_space<vmem>> -> memref<128x64xf32, #tpu.memory_space<vmem>>
      tpu.vector_store_idx %scatter3A_534[%broadcast_in_dim3A_529, %add3A_522], %gather3A_528 : memref<128x64xf32, #tpu.memory_space<vmem>>[vector<16xi32>, vector<16xi32>], vector<16xf32>,
      %iota3A_535 = tpu.iota {dimensions = array<i32: 0>} : vector<16xi32>
      %add3A_536 = arith.constant 16 : i32
      %add3A_537 = vector.broadcast %add3A_536 : i32 to vector<16xi32>
      %add3A_538 = arith.addi %iota3A_535, %add3A_537 : vector<16xi32>
      %gather3A_539 = arith.constant 5 : i32
      %gather3A_540 = arith.constant 0 : i32
      %gather3A_541 = arith.constant 0 : i32
      %gather3A_542 = tpu.memref_slice %arg10[%gather3A_539, %gather3A_540, %gather3A_541] : memref<8x64x128xf32, #tpu.memory_space<vmem>> -> memref<1x64x128xf32, #tpu.memory_space<vmem>>
      %gather3A_543 = tpu.memref_squeeze %gather3A_542 : memref<1x64x128xf32, #tpu.memory_space<vmem>> -> memref<64x128xf32, #tpu.memory_space<vmem>>
      %gather3A_544 = tpu.vector_load_idx %gather3A_543[%add3A_538, %broadcast_in_dim3A_518] : memref<64x128xf32, #tpu.memory_space<vmem>>[vector<16xi32>, vector<16xi32>], vector<16xf32>,
      %broadcast_in_dim3A_545 = vector.broadcast %add3A_399 : i32 to vector<16xi32>
      %scatter3A_546 = arith.constant 1 : i32
      %scatter3A_547 = arith.constant 0 : i32
      %scatter3A_548 = arith.constant 0 : i32
      %scatter3A_549 = tpu.memref_slice %arg11[%scatter3A_546, %scatter3A_547, %scatter3A_548] : memref<2x128x64xf32, #tpu.memory_space<vmem>> -> memref<1x128x64xf32, #tpu.memory_space<vmem>>
      %scatter3A_550 = tpu.memref_squeeze %scatter3A_549 : memref<1x128x64xf32, #tpu.memory_space<vmem>> -> memref<128x64xf32, #tpu.memory_space<vmem>>
      tpu.vector_store_idx %scatter3A_550[%broadcast_in_dim3A_545, %add3A_538], %gather3A_544 : memref<128x64xf32, #tpu.memory_space<vmem>>[vector<16xi32>, vector<16xi32>], vector<16xf32>,
      %iota3A_551 = tpu.iota {dimensions = array<i32: 0>} : vector<16xi32>
      %add3A_552 = arith.constant 32 : i32
      %add3A_553 = vector.broadcast %add3A_552 : i32 to vector<16xi32>
      %add3A_554 = arith.addi %iota3A_551, %add3A_553 : vector<16xi32>
      %gather3A_555 = arith.constant 5 : i32
      %gather3A_556 = arith.constant 0 : i32
      %gather3A_557 = arith.constant 0 : i32
      %gather3A_558 = tpu.memref_slice %arg10[%gather3A_555, %gather3A_556, %gather3A_557] : memref<8x64x128xf32, #tpu.memory_space<vmem>> -> memref<1x64x128xf32, #tpu.memory_space<vmem>>
      %gather3A_559 = tpu.memref_squeeze %gather3A_558 : memref<1x64x128xf32, #tpu.memory_space<vmem>> -> memref<64x128xf32, #tpu.memory_space<vmem>>
      %gather3A_560 = tpu.vector_load_idx %gather3A_559[%add3A_554, %broadcast_in_dim3A_518] : memref<64x128xf32, #tpu.memory_space<vmem>>[vector<16xi32>, vector<16xi32>], vector<16xf32>,
      %broadcast_in_dim3A_561 = vector.broadcast %add3A_399 : i32 to vector<16xi32>
      %scatter3A_562 = arith.constant 1 : i32
      %scatter3A_563 = arith.constant 0 : i32
      %scatter3A_564 = arith.constant 0 : i32
      %scatter3A_565 = tpu.memref_slice %arg11[%scatter3A_562, %scatter3A_563, %scatter3A_564] : memref<2x128x64xf32, #tpu.memory_space<vmem>> -> memref<1x128x64xf32, #tpu.memory_space<vmem>>
      %scatter3A_566 = tpu.memref_squeeze %scatter3A_565 : memref<1x128x64xf32, #tpu.memory_space<vmem>> -> memref<128x64xf32, #tpu.memory_space<vmem>>
      tpu.vector_store_idx %scatter3A_566[%broadcast_in_dim3A_561, %add3A_554], %gather3A_560 : memref<128x64xf32, #tpu.memory_space<vmem>>[vector<16xi32>, vector<16xi32>], vector<16xf32>,
      %iota3A_567 = tpu.iota {dimensions = array<i32: 0>} : vector<16xi32>
      %add3A_568 = arith.constant 48 : i32
      %add3A_569 = vector.broadcast %add3A_568 : i32 to vector<16xi32>
      %add3A_570 = arith.addi %iota3A_567, %add3A_569 : vector<16xi32>
      %gather3A_571 = arith.constant 5 : i32
      %gather3A_572 = arith.constant 0 : i32
      %gather3A_573 = arith.constant 0 : i32
      %gather3A_574 = tpu.memref_slice %arg10[%gather3A_571, %gather3A_572, %gather3A_573] : memref<8x64x128xf32, #tpu.memory_space<vmem>> -> memref<1x64x128xf32, #tpu.memory_space<vmem>>
      %gather3A_575 = tpu.memref_squeeze %gather3A_574 : memref<1x64x128xf32, #tpu.memory_space<vmem>> -> memref<64x128xf32, #tpu.memory_space<vmem>>
      %gather3A_576 = tpu.vector_load_idx %gather3A_575[%add3A_570, %broadcast_in_dim3A_518] : memref<64x128xf32, #tpu.memory_space<vmem>>[vector<16xi32>, vector<16xi32>], vector<16xf32>,
      %broadcast_in_dim3A_577 = vector.broadcast %add3A_399 : i32 to vector<16xi32>
      %scatter3A_578 = arith.constant 1 : i32
      %scatter3A_579 = arith.constant 0 : i32
      %scatter3A_580 = arith.constant 0 : i32
      %scatter3A_581 = tpu.memref_slice %arg11[%scatter3A_578, %scatter3A_579, %scatter3A_580] : memref<2x128x64xf32, #tpu.memory_space<vmem>> -> memref<1x128x64xf32, #tpu.memory_space<vmem>>
      %scatter3A_582 = tpu.memref_squeeze %scatter3A_581 : memref<1x128x64xf32, #tpu.memory_space<vmem>> -> memref<128x64xf32, #tpu.memory_space<vmem>>
      tpu.vector_store_idx %scatter3A_582[%broadcast_in_dim3A_577, %add3A_570], %gather3A_576 : memref<128x64xf32, #tpu.memory_space<vmem>>[vector<16xi32>, vector<16xi32>], vector<16xf32>,
      %lt3A_583 = arith.constant 31 : i32
      %lt3A_584 = arith.cmpi slt, %scan3A_210, %lt3A_583 : i32
      %convert_element_type3A_585 = arith.extui %lt3A_584 : i1 to i32
      %cond3A_586 = arith.constant 0 : i32
      %cond3A_587 = arith.cmpi ne, %convert_element_type3A_585, %cond3A_586 : i32
      scf.if %cond3A_587 {
        %add3A_972 = arith.constant 4 : i32
        %add3A_973 = arith.addi %add3A_399, %add3A_972 : i32
        %broadcast_in_dim3A_974 = vector.broadcast %add3A_973 : i32 to vector<16xi32>
        %gather3A_975 = tpu.vector_load_idx %arg9[%broadcast_in_dim3A_974] : memref<128xi32, #tpu.memory_space<vmem>>[vector<16xi32>], vector<16xi32>,
        %slice3A_976 = vector.extract_strided_slice %gather3A_975 {offsets = [0], sizes = [1], strides = [1]} : vector<16xi32> to vector<1xi32>
        %squeeze3A_977 = vector.extract %slice3A_976[0] : i32 from vector<1xi32>
        %shift_right_arithmetic3A_978 = arith.constant 7 : i32
        %shift_right_arithmetic3A_979 = arith.shrsi %squeeze3A_977, %shift_right_arithmetic3A_978 : i32
        %mul3A_980 = arith.constant 128 : i32
        %mul3A_981 = arith.muli %shift_right_arithmetic3A_979, %mul3A_980 : i32
        %multiple_of3A_982 = tpu.assume_multiple %mul3A_981, 128 : i32
        %dma_start3A_983 = arith.constant 5 : i32
        %dma_start3A_984 = arith.constant 5 : i32
        %dma_start3A_985 = arith.constant 0 : i32
        %dma_start3A_986 = arith.constant 0 : i32
        %dma_start3A_987 = tpu.memref_slice %arg10[%dma_start3A_983, %dma_start3A_985, %dma_start3A_986] : memref<8x64x128xf32, #tpu.memory_space<vmem>> -> memref<1x64x128xf32, #tpu.memory_space<vmem>>
        %dma_start3A_988 = tpu.memref_squeeze %dma_start3A_987 : memref<1x64x128xf32, #tpu.memory_space<vmem>> -> memref<64x128xf32, #tpu.memory_space<vmem>>
        %dma_start3A_989 = arith.constant 0 : i32
        %dma_start3A_990 = tpu.memref_slice %arg5[%dma_start3A_989, %multiple_of3A_982] : memref<64x1000000xf32, #tpu.memory_space<hbm>> -> memref<64x128xf32, #tpu.memory_space<hbm>>
        %dma_start3A_991 = tpu.memref_slice %arg12[%dma_start3A_984] : memref<8x!tpu.dma_semaphore, #tpu.memory_space<semaphore_mem>> -> memref<1x!tpu.dma_semaphore, #tpu.memory_space<semaphore_mem>>
        %dma_start3A_992 = tpu.memref_squeeze %dma_start3A_991 : memref<1x!tpu.dma_semaphore, #tpu.memory_space<semaphore_mem>> -> memref<!tpu.dma_semaphore, #tpu.memory_space<semaphore_mem>>
        %dma_start3A_993 = arith.constant 0 : i32
        %dma_start3A_994 = arith.constant 0 : i32
        %dma_start3A_995 = tpu.memref_slice %arg10[%dma_start3A_983, %dma_start3A_993, %dma_start3A_994] : memref<8x64x128xf32, #tpu.memory_space<vmem>> -> memref<1x64x128xf32, #tpu.memory_space<vmem>>
        %dma_start3A_996 = tpu.memref_squeeze %dma_start3A_995 : memref<1x64x128xf32, #tpu.memory_space<vmem>> -> memref<64x128xf32, #tpu.memory_space<vmem>>
        %dma_start3A_997 = arith.constant 0 : i32
        %dma_start3A_998 = tpu.memref_slice %arg5[%dma_start3A_997, %multiple_of3A_982] : memref<64x1000000xf32, #tpu.memory_space<hbm>> -> memref<64x128xf32, #tpu.memory_space<hbm>>
        tpu.enqueue_dma source(%dma_start3A_998 : memref<64x128xf32, #tpu.memory_space<hbm>>) target(%dma_start3A_996 : memref<64x128xf32, #tpu.memory_space<vmem>>) target_semaphore(%dma_start3A_992 : memref<!tpu.dma_semaphore, #tpu.memory_space<semaphore_mem>>)
      } else {
      }
      %mul3A_588 = arith.constant 4 : i32
      %mul3A_589 = arith.muli %scan3A_210, %mul3A_588 : i32
      %add3A_590 = arith.constant 2 : i32
      %add3A_591 = arith.addi %mul3A_589, %add3A_590 : i32
      %dma_wait3A_592 = arith.constant 2 : i32
      %dma_wait3A_593 = arith.constant 2 : i32
      %dma_wait3A_594 = arith.constant 0 : i32
      %dma_wait3A_595 = arith.constant 0 : i32
      %dma_wait3A_596 = tpu.memref_slice %arg10[%dma_wait3A_592, %dma_wait3A_594, %dma_wait3A_595] : memref<8x64x128xf32, #tpu.memory_space<vmem>> -> memref<1x64x128xf32, #tpu.memory_space<vmem>>
      %dma_wait3A_597 = tpu.memref_squeeze %dma_wait3A_596 : memref<1x64x128xf32, #tpu.memory_space<vmem>> -> memref<64x128xf32, #tpu.memory_space<vmem>>
      %dma_wait3A_598 = arith.constant 0 : i32
      %dma_wait3A_599 = arith.constant 0 : i32
      %dma_wait3A_600 = tpu.memref_slice %arg4[%dma_wait3A_598, %dma_wait3A_599] : memref<64x1000000xf32, #tpu.memory_space<hbm>> -> memref<64x128xf32, #tpu.memory_space<hbm>>
      %dma_wait3A_601 = tpu.memref_slice %arg12[%dma_wait3A_593] : memref<8x!tpu.dma_semaphore, #tpu.memory_space<semaphore_mem>> -> memref<1x!tpu.dma_semaphore, #tpu.memory_space<semaphore_mem>>
      %dma_wait3A_602 = tpu.memref_squeeze %dma_wait3A_601 : memref<1x!tpu.dma_semaphore, #tpu.memory_space<semaphore_mem>> -> memref<!tpu.dma_semaphore, #tpu.memory_space<semaphore_mem>>
      %dma_wait3A_603 = arith.constant 0 : i32
      %dma_wait3A_604 = arith.constant 0 : i32
      %dma_wait3A_605 = tpu.memref_slice %arg10[%dma_wait3A_592, %dma_wait3A_603, %dma_wait3A_604] : memref<8x64x128xf32, #tpu.memory_space<vmem>> -> memref<1x64x128xf32, #tpu.memory_space<vmem>>
      %dma_wait3A_606 = tpu.memref_squeeze %dma_wait3A_605 : memref<1x64x128xf32, #tpu.memory_space<vmem>> -> memref<64x128xf32, #tpu.memory_space<vmem>>
      %dma_wait3A_607 = arith.constant 0 : i32
      %dma_wait3A_608 = arith.constant 0 : i32
      %dma_wait3A_609 = tpu.memref_slice %arg4[%dma_wait3A_607, %dma_wait3A_608] : memref<64x1000000xf32, #tpu.memory_space<hbm>> -> memref<64x128xf32, #tpu.memory_space<hbm>>
      tpu.wait_dma2 semaphore(%dma_wait3A_602 : memref<!tpu.dma_semaphore, #tpu.memory_space<semaphore_mem>>) src(%dma_wait3A_609 : memref<64x128xf32, #tpu.memory_space<hbm>>) dst(%dma_wait3A_606 : memref<64x128xf32, #tpu.memory_space<vmem>>)
      %broadcast_in_dim3A_610 = vector.broadcast %add3A_591 : i32 to vector<16xi32>
      %gather3A_611 = tpu.vector_load_idx %arg8[%broadcast_in_dim3A_610] : memref<128xi32, #tpu.memory_space<vmem>>[vector<16xi32>], vector<16xi32>,
      %slice3A_612 = vector.extract_strided_slice %gather3A_611 {offsets = [0], sizes = [1], strides = [1]} : vector<16xi32> to vector<1xi32>
      %squeeze3A_613 = vector.extract %slice3A_612[0] : i32 from vector<1xi32>
      %and3A_614 = arith.constant 127 : i32
      %and3A_615 = arith.andi %squeeze3A_613, %and3A_614 : i32
      %broadcast_in_dim3A_616 = vector.broadcast %and3A_615 : i32 to vector<16xi32>
      %iota3A_617 = tpu.iota {dimensions = array<i32: 0>} : vector<16xi32>
      %add3A_618 = arith.constant 0 : i32
      %add3A_619 = vector.broadcast %add3A_618 : i32 to vector<16xi32>
      %add3A_620 = arith.addi %iota3A_617, %add3A_619 : vector<16xi32>
      %gather3A_621 = arith.constant 2 : i32
      %gather3A_622 = arith.constant 0 : i32
      %gather3A_623 = arith.constant 0 : i32
      %gather3A_624 = tpu.memref_slice %arg10[%gather3A_621, %gather3A_622, %gather3A_623] : memref<8x64x128xf32, #tpu.memory_space<vmem>> -> memref<1x64x128xf32, #tpu.memory_space<vmem>>
      %gather3A_625 = tpu.memref_squeeze %gather3A_624 : memref<1x64x128xf32, #tpu.memory_space<vmem>> -> memref<64x128xf32, #tpu.memory_space<vmem>>
      %gather3A_626 = tpu.vector_load_idx %gather3A_625[%add3A_620, %broadcast_in_dim3A_616] : memref<64x128xf32, #tpu.memory_space<vmem>>[vector<16xi32>, vector<16xi32>], vector<16xf32>,
      %broadcast_in_dim3A_627 = vector.broadcast %add3A_591 : i32 to vector<16xi32>
      %scatter3A_628 = arith.constant 0 : i32
      %scatter3A_629 = arith.constant 0 : i32
      %scatter3A_630 = arith.constant 0 : i32
      %scatter3A_631 = tpu.memref_slice %arg11[%scatter3A_628, %scatter3A_629, %scatter3A_630] : memref<2x128x64xf32, #tpu.memory_space<vmem>> -> memref<1x128x64xf32, #tpu.memory_space<vmem>>
      %scatter3A_632 = tpu.memref_squeeze %scatter3A_631 : memref<1x128x64xf32, #tpu.memory_space<vmem>> -> memref<128x64xf32, #tpu.memory_space<vmem>>
      tpu.vector_store_idx %scatter3A_632[%broadcast_in_dim3A_627, %add3A_620], %gather3A_626 : memref<128x64xf32, #tpu.memory_space<vmem>>[vector<16xi32>, vector<16xi32>], vector<16xf32>,
      %iota3A_633 = tpu.iota {dimensions = array<i32: 0>} : vector<16xi32>
      %add3A_634 = arith.constant 16 : i32
      %add3A_635 = vector.broadcast %add3A_634 : i32 to vector<16xi32>
      %add3A_636 = arith.addi %iota3A_633, %add3A_635 : vector<16xi32>
      %gather3A_637 = arith.constant 2 : i32
      %gather3A_638 = arith.constant 0 : i32
      %gather3A_639 = arith.constant 0 : i32
      %gather3A_640 = tpu.memref_slice %arg10[%gather3A_637, %gather3A_638, %gather3A_639] : memref<8x64x128xf32, #tpu.memory_space<vmem>> -> memref<1x64x128xf32, #tpu.memory_space<vmem>>
      %gather3A_641 = tpu.memref_squeeze %gather3A_640 : memref<1x64x128xf32, #tpu.memory_space<vmem>> -> memref<64x128xf32, #tpu.memory_space<vmem>>
      %gather3A_642 = tpu.vector_load_idx %gather3A_641[%add3A_636, %broadcast_in_dim3A_616] : memref<64x128xf32, #tpu.memory_space<vmem>>[vector<16xi32>, vector<16xi32>], vector<16xf32>,
      %broadcast_in_dim3A_643 = vector.broadcast %add3A_591 : i32 to vector<16xi32>
      %scatter3A_644 = arith.constant 0 : i32
      %scatter3A_645 = arith.constant 0 : i32
      %scatter3A_646 = arith.constant 0 : i32
      %scatter3A_647 = tpu.memref_slice %arg11[%scatter3A_644, %scatter3A_645, %scatter3A_646] : memref<2x128x64xf32, #tpu.memory_space<vmem>> -> memref<1x128x64xf32, #tpu.memory_space<vmem>>
      %scatter3A_648 = tpu.memref_squeeze %scatter3A_647 : memref<1x128x64xf32, #tpu.memory_space<vmem>> -> memref<128x64xf32, #tpu.memory_space<vmem>>
      tpu.vector_store_idx %scatter3A_648[%broadcast_in_dim3A_643, %add3A_636], %gather3A_642 : memref<128x64xf32, #tpu.memory_space<vmem>>[vector<16xi32>, vector<16xi32>], vector<16xf32>,
      %iota3A_649 = tpu.iota {dimensions = array<i32: 0>} : vector<16xi32>
      %add3A_650 = arith.constant 32 : i32
      %add3A_651 = vector.broadcast %add3A_650 : i32 to vector<16xi32>
      %add3A_652 = arith.addi %iota3A_649, %add3A_651 : vector<16xi32>
      %gather3A_653 = arith.constant 2 : i32
      %gather3A_654 = arith.constant 0 : i32
      %gather3A_655 = arith.constant 0 : i32
      %gather3A_656 = tpu.memref_slice %arg10[%gather3A_653, %gather3A_654, %gather3A_655] : memref<8x64x128xf32, #tpu.memory_space<vmem>> -> memref<1x64x128xf32, #tpu.memory_space<vmem>>
      %gather3A_657 = tpu.memref_squeeze %gather3A_656 : memref<1x64x128xf32, #tpu.memory_space<vmem>> -> memref<64x128xf32, #tpu.memory_space<vmem>>
      %gather3A_658 = tpu.vector_load_idx %gather3A_657[%add3A_652, %broadcast_in_dim3A_616] : memref<64x128xf32, #tpu.memory_space<vmem>>[vector<16xi32>, vector<16xi32>], vector<16xf32>,
      %broadcast_in_dim3A_659 = vector.broadcast %add3A_591 : i32 to vector<16xi32>
      %scatter3A_660 = arith.constant 0 : i32
      %scatter3A_661 = arith.constant 0 : i32
      %scatter3A_662 = arith.constant 0 : i32
      %scatter3A_663 = tpu.memref_slice %arg11[%scatter3A_660, %scatter3A_661, %scatter3A_662] : memref<2x128x64xf32, #tpu.memory_space<vmem>> -> memref<1x128x64xf32, #tpu.memory_space<vmem>>
      %scatter3A_664 = tpu.memref_squeeze %scatter3A_663 : memref<1x128x64xf32, #tpu.memory_space<vmem>> -> memref<128x64xf32, #tpu.memory_space<vmem>>
      tpu.vector_store_idx %scatter3A_664[%broadcast_in_dim3A_659, %add3A_652], %gather3A_658 : memref<128x64xf32, #tpu.memory_space<vmem>>[vector<16xi32>, vector<16xi32>], vector<16xf32>,
      %iota3A_665 = tpu.iota {dimensions = array<i32: 0>} : vector<16xi32>
      %add3A_666 = arith.constant 48 : i32
      %add3A_667 = vector.broadcast %add3A_666 : i32 to vector<16xi32>
      %add3A_668 = arith.addi %iota3A_665, %add3A_667 : vector<16xi32>
      %gather3A_669 = arith.constant 2 : i32
      %gather3A_670 = arith.constant 0 : i32
      %gather3A_671 = arith.constant 0 : i32
      %gather3A_672 = tpu.memref_slice %arg10[%gather3A_669, %gather3A_670, %gather3A_671] : memref<8x64x128xf32, #tpu.memory_space<vmem>> -> memref<1x64x128xf32, #tpu.memory_space<vmem>>
      %gather3A_673 = tpu.memref_squeeze %gather3A_672 : memref<1x64x128xf32, #tpu.memory_space<vmem>> -> memref<64x128xf32, #tpu.memory_space<vmem>>
      %gather3A_674 = tpu.vector_load_idx %gather3A_673[%add3A_668, %broadcast_in_dim3A_616] : memref<64x128xf32, #tpu.memory_space<vmem>>[vector<16xi32>, vector<16xi32>], vector<16xf32>,
      %broadcast_in_dim3A_675 = vector.broadcast %add3A_591 : i32 to vector<16xi32>
      %scatter3A_676 = arith.constant 0 : i32
      %scatter3A_677 = arith.constant 0 : i32
      %scatter3A_678 = arith.constant 0 : i32
      %scatter3A_679 = tpu.memref_slice %arg11[%scatter3A_676, %scatter3A_677, %scatter3A_678] : memref<2x128x64xf32, #tpu.memory_space<vmem>> -> memref<1x128x64xf32, #tpu.memory_space<vmem>>
      %scatter3A_680 = tpu.memref_squeeze %scatter3A_679 : memref<1x128x64xf32, #tpu.memory_space<vmem>> -> memref<128x64xf32, #tpu.memory_space<vmem>>
      tpu.vector_store_idx %scatter3A_680[%broadcast_in_dim3A_675, %add3A_668], %gather3A_674 : memref<128x64xf32, #tpu.memory_space<vmem>>[vector<16xi32>, vector<16xi32>], vector<16xf32>,
      %lt3A_681 = arith.constant 31 : i32
      %lt3A_682 = arith.cmpi slt, %scan3A_210, %lt3A_681 : i32
      %convert_element_type3A_683 = arith.extui %lt3A_682 : i1 to i32
      %cond3A_684 = arith.constant 0 : i32
      %cond3A_685 = arith.cmpi ne, %convert_element_type3A_683, %cond3A_684 : i32
      scf.if %cond3A_685 {
        %add3A_972 = arith.constant 4 : i32
        %add3A_973 = arith.addi %add3A_591, %add3A_972 : i32
        %broadcast_in_dim3A_974 = vector.broadcast %add3A_973 : i32 to vector<16xi32>
        %gather3A_975 = tpu.vector_load_idx %arg8[%broadcast_in_dim3A_974] : memref<128xi32, #tpu.memory_space<vmem>>[vector<16xi32>], vector<16xi32>,
        %slice3A_976 = vector.extract_strided_slice %gather3A_975 {offsets = [0], sizes = [1], strides = [1]} : vector<16xi32> to vector<1xi32>
        %squeeze3A_977 = vector.extract %slice3A_976[0] : i32 from vector<1xi32>
        %shift_right_arithmetic3A_978 = arith.constant 7 : i32
        %shift_right_arithmetic3A_979 = arith.shrsi %squeeze3A_977, %shift_right_arithmetic3A_978 : i32
        %mul3A_980 = arith.constant 128 : i32
        %mul3A_981 = arith.muli %shift_right_arithmetic3A_979, %mul3A_980 : i32
        %multiple_of3A_982 = tpu.assume_multiple %mul3A_981, 128 : i32
        %dma_start3A_983 = arith.constant 2 : i32
        %dma_start3A_984 = arith.constant 2 : i32
        %dma_start3A_985 = arith.constant 0 : i32
        %dma_start3A_986 = arith.constant 0 : i32
        %dma_start3A_987 = tpu.memref_slice %arg10[%dma_start3A_983, %dma_start3A_985, %dma_start3A_986] : memref<8x64x128xf32, #tpu.memory_space<vmem>> -> memref<1x64x128xf32, #tpu.memory_space<vmem>>
        %dma_start3A_988 = tpu.memref_squeeze %dma_start3A_987 : memref<1x64x128xf32, #tpu.memory_space<vmem>> -> memref<64x128xf32, #tpu.memory_space<vmem>>
        %dma_start3A_989 = arith.constant 0 : i32
        %dma_start3A_990 = tpu.memref_slice %arg4[%dma_start3A_989, %multiple_of3A_982] : memref<64x1000000xf32, #tpu.memory_space<hbm>> -> memref<64x128xf32, #tpu.memory_space<hbm>>
        %dma_start3A_991 = tpu.memref_slice %arg12[%dma_start3A_984] : memref<8x!tpu.dma_semaphore, #tpu.memory_space<semaphore_mem>> -> memref<1x!tpu.dma_semaphore, #tpu.memory_space<semaphore_mem>>
        %dma_start3A_992 = tpu.memref_squeeze %dma_start3A_991 : memref<1x!tpu.dma_semaphore, #tpu.memory_space<semaphore_mem>> -> memref<!tpu.dma_semaphore, #tpu.memory_space<semaphore_mem>>
        %dma_start3A_993 = arith.constant 0 : i32
        %dma_start3A_994 = arith.constant 0 : i32
        %dma_start3A_995 = tpu.memref_slice %arg10[%dma_start3A_983, %dma_start3A_993, %dma_start3A_994] : memref<8x64x128xf32, #tpu.memory_space<vmem>> -> memref<1x64x128xf32, #tpu.memory_space<vmem>>
        %dma_start3A_996 = tpu.memref_squeeze %dma_start3A_995 : memref<1x64x128xf32, #tpu.memory_space<vmem>> -> memref<64x128xf32, #tpu.memory_space<vmem>>
        %dma_start3A_997 = arith.constant 0 : i32
        %dma_start3A_998 = tpu.memref_slice %arg4[%dma_start3A_997, %multiple_of3A_982] : memref<64x1000000xf32, #tpu.memory_space<hbm>> -> memref<64x128xf32, #tpu.memory_space<hbm>>
        tpu.enqueue_dma source(%dma_start3A_998 : memref<64x128xf32, #tpu.memory_space<hbm>>) target(%dma_start3A_996 : memref<64x128xf32, #tpu.memory_space<vmem>>) target_semaphore(%dma_start3A_992 : memref<!tpu.dma_semaphore, #tpu.memory_space<semaphore_mem>>)
      } else {
      }
      %dma_wait3A_686 = arith.constant 6 : i32
      %dma_wait3A_687 = arith.constant 6 : i32
      %dma_wait3A_688 = arith.constant 0 : i32
      %dma_wait3A_689 = arith.constant 0 : i32
      %dma_wait3A_690 = tpu.memref_slice %arg10[%dma_wait3A_686, %dma_wait3A_688, %dma_wait3A_689] : memref<8x64x128xf32, #tpu.memory_space<vmem>> -> memref<1x64x128xf32, #tpu.memory_space<vmem>>
      %dma_wait3A_691 = tpu.memref_squeeze %dma_wait3A_690 : memref<1x64x128xf32, #tpu.memory_space<vmem>> -> memref<64x128xf32, #tpu.memory_space<vmem>>
      %dma_wait3A_692 = arith.constant 0 : i32
      %dma_wait3A_693 = arith.constant 0 : i32
      %dma_wait3A_694 = tpu.memref_slice %arg5[%dma_wait3A_692, %dma_wait3A_693] : memref<64x1000000xf32, #tpu.memory_space<hbm>> -> memref<64x128xf32, #tpu.memory_space<hbm>>
      %dma_wait3A_695 = tpu.memref_slice %arg12[%dma_wait3A_687] : memref<8x!tpu.dma_semaphore, #tpu.memory_space<semaphore_mem>> -> memref<1x!tpu.dma_semaphore, #tpu.memory_space<semaphore_mem>>
      %dma_wait3A_696 = tpu.memref_squeeze %dma_wait3A_695 : memref<1x!tpu.dma_semaphore, #tpu.memory_space<semaphore_mem>> -> memref<!tpu.dma_semaphore, #tpu.memory_space<semaphore_mem>>
      %dma_wait3A_697 = arith.constant 0 : i32
      %dma_wait3A_698 = arith.constant 0 : i32
      %dma_wait3A_699 = tpu.memref_slice %arg10[%dma_wait3A_686, %dma_wait3A_697, %dma_wait3A_698] : memref<8x64x128xf32, #tpu.memory_space<vmem>> -> memref<1x64x128xf32, #tpu.memory_space<vmem>>
      %dma_wait3A_700 = tpu.memref_squeeze %dma_wait3A_699 : memref<1x64x128xf32, #tpu.memory_space<vmem>> -> memref<64x128xf32, #tpu.memory_space<vmem>>
      %dma_wait3A_701 = arith.constant 0 : i32
      %dma_wait3A_702 = arith.constant 0 : i32
      %dma_wait3A_703 = tpu.memref_slice %arg5[%dma_wait3A_701, %dma_wait3A_702] : memref<64x1000000xf32, #tpu.memory_space<hbm>> -> memref<64x128xf32, #tpu.memory_space<hbm>>
      tpu.wait_dma2 semaphore(%dma_wait3A_696 : memref<!tpu.dma_semaphore, #tpu.memory_space<semaphore_mem>>) src(%dma_wait3A_703 : memref<64x128xf32, #tpu.memory_space<hbm>>) dst(%dma_wait3A_700 : memref<64x128xf32, #tpu.memory_space<vmem>>)
      %broadcast_in_dim3A_704 = vector.broadcast %add3A_591 : i32 to vector<16xi32>
      %gather3A_705 = tpu.vector_load_idx %arg9[%broadcast_in_dim3A_704] : memref<128xi32, #tpu.memory_space<vmem>>[vector<16xi32>], vector<16xi32>,
      %slice3A_706 = vector.extract_strided_slice %gather3A_705 {offsets = [0], sizes = [1], strides = [1]} : vector<16xi32> to vector<1xi32>
      %squeeze3A_707 = vector.extract %slice3A_706[0] : i32 from vector<1xi32>
      %and3A_708 = arith.constant 127 : i32
      %and3A_709 = arith.andi %squeeze3A_707, %and3A_708 : i32
      %broadcast_in_dim3A_710 = vector.broadcast %and3A_709 : i32 to vector<16xi32>
      %iota3A_711 = tpu.iota {dimensions = array<i32: 0>} : vector<16xi32>
      %add3A_712 = arith.constant 0 : i32
      %add3A_713 = vector.broadcast %add3A_712 : i32 to vector<16xi32>
      %add3A_714 = arith.addi %iota3A_711, %add3A_713 : vector<16xi32>
      %gather3A_715 = arith.constant 6 : i32
      %gather3A_716 = arith.constant 0 : i32
      %gather3A_717 = arith.constant 0 : i32
      %gather3A_718 = tpu.memref_slice %arg10[%gather3A_715, %gather3A_716, %gather3A_717] : memref<8x64x128xf32, #tpu.memory_space<vmem>> -> memref<1x64x128xf32, #tpu.memory_space<vmem>>
      %gather3A_719 = tpu.memref_squeeze %gather3A_718 : memref<1x64x128xf32, #tpu.memory_space<vmem>> -> memref<64x128xf32, #tpu.memory_space<vmem>>
      %gather3A_720 = tpu.vector_load_idx %gather3A_719[%add3A_714, %broadcast_in_dim3A_710] : memref<64x128xf32, #tpu.memory_space<vmem>>[vector<16xi32>, vector<16xi32>], vector<16xf32>,
      %broadcast_in_dim3A_721 = vector.broadcast %add3A_591 : i32 to vector<16xi32>
      %scatter3A_722 = arith.constant 1 : i32
      %scatter3A_723 = arith.constant 0 : i32
      %scatter3A_724 = arith.constant 0 : i32
      %scatter3A_725 = tpu.memref_slice %arg11[%scatter3A_722, %scatter3A_723, %scatter3A_724] : memref<2x128x64xf32, #tpu.memory_space<vmem>> -> memref<1x128x64xf32, #tpu.memory_space<vmem>>
      %scatter3A_726 = tpu.memref_squeeze %scatter3A_725 : memref<1x128x64xf32, #tpu.memory_space<vmem>> -> memref<128x64xf32, #tpu.memory_space<vmem>>
      tpu.vector_store_idx %scatter3A_726[%broadcast_in_dim3A_721, %add3A_714], %gather3A_720 : memref<128x64xf32, #tpu.memory_space<vmem>>[vector<16xi32>, vector<16xi32>], vector<16xf32>,
      %iota3A_727 = tpu.iota {dimensions = array<i32: 0>} : vector<16xi32>
      %add3A_728 = arith.constant 16 : i32
      %add3A_729 = vector.broadcast %add3A_728 : i32 to vector<16xi32>
      %add3A_730 = arith.addi %iota3A_727, %add3A_729 : vector<16xi32>
      %gather3A_731 = arith.constant 6 : i32
      %gather3A_732 = arith.constant 0 : i32
      %gather3A_733 = arith.constant 0 : i32
      %gather3A_734 = tpu.memref_slice %arg10[%gather3A_731, %gather3A_732, %gather3A_733] : memref<8x64x128xf32, #tpu.memory_space<vmem>> -> memref<1x64x128xf32, #tpu.memory_space<vmem>>
      %gather3A_735 = tpu.memref_squeeze %gather3A_734 : memref<1x64x128xf32, #tpu.memory_space<vmem>> -> memref<64x128xf32, #tpu.memory_space<vmem>>
      %gather3A_736 = tpu.vector_load_idx %gather3A_735[%add3A_730, %broadcast_in_dim3A_710] : memref<64x128xf32, #tpu.memory_space<vmem>>[vector<16xi32>, vector<16xi32>], vector<16xf32>,
      %broadcast_in_dim3A_737 = vector.broadcast %add3A_591 : i32 to vector<16xi32>
      %scatter3A_738 = arith.constant 1 : i32
      %scatter3A_739 = arith.constant 0 : i32
      %scatter3A_740 = arith.constant 0 : i32
      %scatter3A_741 = tpu.memref_slice %arg11[%scatter3A_738, %scatter3A_739, %scatter3A_740] : memref<2x128x64xf32, #tpu.memory_space<vmem>> -> memref<1x128x64xf32, #tpu.memory_space<vmem>>
      %scatter3A_742 = tpu.memref_squeeze %scatter3A_741 : memref<1x128x64xf32, #tpu.memory_space<vmem>> -> memref<128x64xf32, #tpu.memory_space<vmem>>
      tpu.vector_store_idx %scatter3A_742[%broadcast_in_dim3A_737, %add3A_730], %gather3A_736 : memref<128x64xf32, #tpu.memory_space<vmem>>[vector<16xi32>, vector<16xi32>], vector<16xf32>,
      %iota3A_743 = tpu.iota {dimensions = array<i32: 0>} : vector<16xi32>
      %add3A_744 = arith.constant 32 : i32
      %add3A_745 = vector.broadcast %add3A_744 : i32 to vector<16xi32>
      %add3A_746 = arith.addi %iota3A_743, %add3A_745 : vector<16xi32>
      %gather3A_747 = arith.constant 6 : i32
      %gather3A_748 = arith.constant 0 : i32
      %gather3A_749 = arith.constant 0 : i32
      %gather3A_750 = tpu.memref_slice %arg10[%gather3A_747, %gather3A_748, %gather3A_749] : memref<8x64x128xf32, #tpu.memory_space<vmem>> -> memref<1x64x128xf32, #tpu.memory_space<vmem>>
      %gather3A_751 = tpu.memref_squeeze %gather3A_750 : memref<1x64x128xf32, #tpu.memory_space<vmem>> -> memref<64x128xf32, #tpu.memory_space<vmem>>
      %gather3A_752 = tpu.vector_load_idx %gather3A_751[%add3A_746, %broadcast_in_dim3A_710] : memref<64x128xf32, #tpu.memory_space<vmem>>[vector<16xi32>, vector<16xi32>], vector<16xf32>,
      %broadcast_in_dim3A_753 = vector.broadcast %add3A_591 : i32 to vector<16xi32>
      %scatter3A_754 = arith.constant 1 : i32
      %scatter3A_755 = arith.constant 0 : i32
      %scatter3A_756 = arith.constant 0 : i32
      %scatter3A_757 = tpu.memref_slice %arg11[%scatter3A_754, %scatter3A_755, %scatter3A_756] : memref<2x128x64xf32, #tpu.memory_space<vmem>> -> memref<1x128x64xf32, #tpu.memory_space<vmem>>
      %scatter3A_758 = tpu.memref_squeeze %scatter3A_757 : memref<1x128x64xf32, #tpu.memory_space<vmem>> -> memref<128x64xf32, #tpu.memory_space<vmem>>
      tpu.vector_store_idx %scatter3A_758[%broadcast_in_dim3A_753, %add3A_746], %gather3A_752 : memref<128x64xf32, #tpu.memory_space<vmem>>[vector<16xi32>, vector<16xi32>], vector<16xf32>,
      %iota3A_759 = tpu.iota {dimensions = array<i32: 0>} : vector<16xi32>
      %add3A_760 = arith.constant 48 : i32
      %add3A_761 = vector.broadcast %add3A_760 : i32 to vector<16xi32>
      %add3A_762 = arith.addi %iota3A_759, %add3A_761 : vector<16xi32>
      %gather3A_763 = arith.constant 6 : i32
      %gather3A_764 = arith.constant 0 : i32
      %gather3A_765 = arith.constant 0 : i32
      %gather3A_766 = tpu.memref_slice %arg10[%gather3A_763, %gather3A_764, %gather3A_765] : memref<8x64x128xf32, #tpu.memory_space<vmem>> -> memref<1x64x128xf32, #tpu.memory_space<vmem>>
      %gather3A_767 = tpu.memref_squeeze %gather3A_766 : memref<1x64x128xf32, #tpu.memory_space<vmem>> -> memref<64x128xf32, #tpu.memory_space<vmem>>
      %gather3A_768 = tpu.vector_load_idx %gather3A_767[%add3A_762, %broadcast_in_dim3A_710] : memref<64x128xf32, #tpu.memory_space<vmem>>[vector<16xi32>, vector<16xi32>], vector<16xf32>,
      %broadcast_in_dim3A_769 = vector.broadcast %add3A_591 : i32 to vector<16xi32>
      %scatter3A_770 = arith.constant 1 : i32
      %scatter3A_771 = arith.constant 0 : i32
      %scatter3A_772 = arith.constant 0 : i32
      %scatter3A_773 = tpu.memref_slice %arg11[%scatter3A_770, %scatter3A_771, %scatter3A_772] : memref<2x128x64xf32, #tpu.memory_space<vmem>> -> memref<1x128x64xf32, #tpu.memory_space<vmem>>
      %scatter3A_774 = tpu.memref_squeeze %scatter3A_773 : memref<1x128x64xf32, #tpu.memory_space<vmem>> -> memref<128x64xf32, #tpu.memory_space<vmem>>
      tpu.vector_store_idx %scatter3A_774[%broadcast_in_dim3A_769, %add3A_762], %gather3A_768 : memref<128x64xf32, #tpu.memory_space<vmem>>[vector<16xi32>, vector<16xi32>], vector<16xf32>,
      %lt3A_775 = arith.constant 31 : i32
      %lt3A_776 = arith.cmpi slt, %scan3A_210, %lt3A_775 : i32
      %convert_element_type3A_777 = arith.extui %lt3A_776 : i1 to i32
      %cond3A_778 = arith.constant 0 : i32
      %cond3A_779 = arith.cmpi ne, %convert_element_type3A_777, %cond3A_778 : i32
      scf.if %cond3A_779 {
        %add3A_972 = arith.constant 4 : i32
        %add3A_973 = arith.addi %add3A_591, %add3A_972 : i32
        %broadcast_in_dim3A_974 = vector.broadcast %add3A_973 : i32 to vector<16xi32>
        %gather3A_975 = tpu.vector_load_idx %arg9[%broadcast_in_dim3A_974] : memref<128xi32, #tpu.memory_space<vmem>>[vector<16xi32>], vector<16xi32>,
        %slice3A_976 = vector.extract_strided_slice %gather3A_975 {offsets = [0], sizes = [1], strides = [1]} : vector<16xi32> to vector<1xi32>
        %squeeze3A_977 = vector.extract %slice3A_976[0] : i32 from vector<1xi32>
        %shift_right_arithmetic3A_978 = arith.constant 7 : i32
        %shift_right_arithmetic3A_979 = arith.shrsi %squeeze3A_977, %shift_right_arithmetic3A_978 : i32
        %mul3A_980 = arith.constant 128 : i32
        %mul3A_981 = arith.muli %shift_right_arithmetic3A_979, %mul3A_980 : i32
        %multiple_of3A_982 = tpu.assume_multiple %mul3A_981, 128 : i32
        %dma_start3A_983 = arith.constant 6 : i32
        %dma_start3A_984 = arith.constant 6 : i32
        %dma_start3A_985 = arith.constant 0 : i32
        %dma_start3A_986 = arith.constant 0 : i32
        %dma_start3A_987 = tpu.memref_slice %arg10[%dma_start3A_983, %dma_start3A_985, %dma_start3A_986] : memref<8x64x128xf32, #tpu.memory_space<vmem>> -> memref<1x64x128xf32, #tpu.memory_space<vmem>>
        %dma_start3A_988 = tpu.memref_squeeze %dma_start3A_987 : memref<1x64x128xf32, #tpu.memory_space<vmem>> -> memref<64x128xf32, #tpu.memory_space<vmem>>
        %dma_start3A_989 = arith.constant 0 : i32
        %dma_start3A_990 = tpu.memref_slice %arg5[%dma_start3A_989, %multiple_of3A_982] : memref<64x1000000xf32, #tpu.memory_space<hbm>> -> memref<64x128xf32, #tpu.memory_space<hbm>>
        %dma_start3A_991 = tpu.memref_slice %arg12[%dma_start3A_984] : memref<8x!tpu.dma_semaphore, #tpu.memory_space<semaphore_mem>> -> memref<1x!tpu.dma_semaphore, #tpu.memory_space<semaphore_mem>>
        %dma_start3A_992 = tpu.memref_squeeze %dma_start3A_991 : memref<1x!tpu.dma_semaphore, #tpu.memory_space<semaphore_mem>> -> memref<!tpu.dma_semaphore, #tpu.memory_space<semaphore_mem>>
        %dma_start3A_993 = arith.constant 0 : i32
        %dma_start3A_994 = arith.constant 0 : i32
        %dma_start3A_995 = tpu.memref_slice %arg10[%dma_start3A_983, %dma_start3A_993, %dma_start3A_994] : memref<8x64x128xf32, #tpu.memory_space<vmem>> -> memref<1x64x128xf32, #tpu.memory_space<vmem>>
        %dma_start3A_996 = tpu.memref_squeeze %dma_start3A_995 : memref<1x64x128xf32, #tpu.memory_space<vmem>> -> memref<64x128xf32, #tpu.memory_space<vmem>>
        %dma_start3A_997 = arith.constant 0 : i32
        %dma_start3A_998 = tpu.memref_slice %arg5[%dma_start3A_997, %multiple_of3A_982] : memref<64x1000000xf32, #tpu.memory_space<hbm>> -> memref<64x128xf32, #tpu.memory_space<hbm>>
        tpu.enqueue_dma source(%dma_start3A_998 : memref<64x128xf32, #tpu.memory_space<hbm>>) target(%dma_start3A_996 : memref<64x128xf32, #tpu.memory_space<vmem>>) target_semaphore(%dma_start3A_992 : memref<!tpu.dma_semaphore, #tpu.memory_space<semaphore_mem>>)
      } else {
      }
      %mul3A_780 = arith.constant 4 : i32
      %mul3A_781 = arith.muli %scan3A_210, %mul3A_780 : i32
      %add3A_782 = arith.constant 3 : i32
      %add3A_783 = arith.addi %mul3A_781, %add3A_782 : i32
      %dma_wait3A_784 = arith.constant 3 : i32
      %dma_wait3A_785 = arith.constant 3 : i32
      %dma_wait3A_786 = arith.constant 0 : i32
      %dma_wait3A_787 = arith.constant 0 : i32
      %dma_wait3A_788 = tpu.memref_slice %arg10[%dma_wait3A_784, %dma_wait3A_786, %dma_wait3A_787] : memref<8x64x128xf32, #tpu.memory_space<vmem>> -> memref<1x64x128xf32, #tpu.memory_space<vmem>>
      %dma_wait3A_789 = tpu.memref_squeeze %dma_wait3A_788 : memref<1x64x128xf32, #tpu.memory_space<vmem>> -> memref<64x128xf32, #tpu.memory_space<vmem>>
      %dma_wait3A_790 = arith.constant 0 : i32
      %dma_wait3A_791 = arith.constant 0 : i32
      %dma_wait3A_792 = tpu.memref_slice %arg4[%dma_wait3A_790, %dma_wait3A_791] : memref<64x1000000xf32, #tpu.memory_space<hbm>> -> memref<64x128xf32, #tpu.memory_space<hbm>>
      %dma_wait3A_793 = tpu.memref_slice %arg12[%dma_wait3A_785] : memref<8x!tpu.dma_semaphore, #tpu.memory_space<semaphore_mem>> -> memref<1x!tpu.dma_semaphore, #tpu.memory_space<semaphore_mem>>
      %dma_wait3A_794 = tpu.memref_squeeze %dma_wait3A_793 : memref<1x!tpu.dma_semaphore, #tpu.memory_space<semaphore_mem>> -> memref<!tpu.dma_semaphore, #tpu.memory_space<semaphore_mem>>
      %dma_wait3A_795 = arith.constant 0 : i32
      %dma_wait3A_796 = arith.constant 0 : i32
      %dma_wait3A_797 = tpu.memref_slice %arg10[%dma_wait3A_784, %dma_wait3A_795, %dma_wait3A_796] : memref<8x64x128xf32, #tpu.memory_space<vmem>> -> memref<1x64x128xf32, #tpu.memory_space<vmem>>
      %dma_wait3A_798 = tpu.memref_squeeze %dma_wait3A_797 : memref<1x64x128xf32, #tpu.memory_space<vmem>> -> memref<64x128xf32, #tpu.memory_space<vmem>>
      %dma_wait3A_799 = arith.constant 0 : i32
      %dma_wait3A_800 = arith.constant 0 : i32
      %dma_wait3A_801 = tpu.memref_slice %arg4[%dma_wait3A_799, %dma_wait3A_800] : memref<64x1000000xf32, #tpu.memory_space<hbm>> -> memref<64x128xf32, #tpu.memory_space<hbm>>
      tpu.wait_dma2 semaphore(%dma_wait3A_794 : memref<!tpu.dma_semaphore, #tpu.memory_space<semaphore_mem>>) src(%dma_wait3A_801 : memref<64x128xf32, #tpu.memory_space<hbm>>) dst(%dma_wait3A_798 : memref<64x128xf32, #tpu.memory_space<vmem>>)
      %broadcast_in_dim3A_802 = vector.broadcast %add3A_783 : i32 to vector<16xi32>
      %gather3A_803 = tpu.vector_load_idx %arg8[%broadcast_in_dim3A_802] : memref<128xi32, #tpu.memory_space<vmem>>[vector<16xi32>], vector<16xi32>,
      %slice3A_804 = vector.extract_strided_slice %gather3A_803 {offsets = [0], sizes = [1], strides = [1]} : vector<16xi32> to vector<1xi32>
      %squeeze3A_805 = vector.extract %slice3A_804[0] : i32 from vector<1xi32>
      %and3A_806 = arith.constant 127 : i32
      %and3A_807 = arith.andi %squeeze3A_805, %and3A_806 : i32
      %broadcast_in_dim3A_808 = vector.broadcast %and3A_807 : i32 to vector<16xi32>
      %iota3A_809 = tpu.iota {dimensions = array<i32: 0>} : vector<16xi32>
      %add3A_810 = arith.constant 0 : i32
      %add3A_811 = vector.broadcast %add3A_810 : i32 to vector<16xi32>
      %add3A_812 = arith.addi %iota3A_809, %add3A_811 : vector<16xi32>
      %gather3A_813 = arith.constant 3 : i32
      %gather3A_814 = arith.constant 0 : i32
      %gather3A_815 = arith.constant 0 : i32
      %gather3A_816 = tpu.memref_slice %arg10[%gather3A_813, %gather3A_814, %gather3A_815] : memref<8x64x128xf32, #tpu.memory_space<vmem>> -> memref<1x64x128xf32, #tpu.memory_space<vmem>>
      %gather3A_817 = tpu.memref_squeeze %gather3A_816 : memref<1x64x128xf32, #tpu.memory_space<vmem>> -> memref<64x128xf32, #tpu.memory_space<vmem>>
      %gather3A_818 = tpu.vector_load_idx %gather3A_817[%add3A_812, %broadcast_in_dim3A_808] : memref<64x128xf32, #tpu.memory_space<vmem>>[vector<16xi32>, vector<16xi32>], vector<16xf32>,
      %broadcast_in_dim3A_819 = vector.broadcast %add3A_783 : i32 to vector<16xi32>
      %scatter3A_820 = arith.constant 0 : i32
      %scatter3A_821 = arith.constant 0 : i32
      %scatter3A_822 = arith.constant 0 : i32
      %scatter3A_823 = tpu.memref_slice %arg11[%scatter3A_820, %scatter3A_821, %scatter3A_822] : memref<2x128x64xf32, #tpu.memory_space<vmem>> -> memref<1x128x64xf32, #tpu.memory_space<vmem>>
      %scatter3A_824 = tpu.memref_squeeze %scatter3A_823 : memref<1x128x64xf32, #tpu.memory_space<vmem>> -> memref<128x64xf32, #tpu.memory_space<vmem>>
      tpu.vector_store_idx %scatter3A_824[%broadcast_in_dim3A_819, %add3A_812], %gather3A_818 : memref<128x64xf32, #tpu.memory_space<vmem>>[vector<16xi32>, vector<16xi32>], vector<16xf32>,
      %iota3A_825 = tpu.iota {dimensions = array<i32: 0>} : vector<16xi32>
      %add3A_826 = arith.constant 16 : i32
      %add3A_827 = vector.broadcast %add3A_826 : i32 to vector<16xi32>
      %add3A_828 = arith.addi %iota3A_825, %add3A_827 : vector<16xi32>
      %gather3A_829 = arith.constant 3 : i32
      %gather3A_830 = arith.constant 0 : i32
      %gather3A_831 = arith.constant 0 : i32
      %gather3A_832 = tpu.memref_slice %arg10[%gather3A_829, %gather3A_830, %gather3A_831] : memref<8x64x128xf32, #tpu.memory_space<vmem>> -> memref<1x64x128xf32, #tpu.memory_space<vmem>>
      %gather3A_833 = tpu.memref_squeeze %gather3A_832 : memref<1x64x128xf32, #tpu.memory_space<vmem>> -> memref<64x128xf32, #tpu.memory_space<vmem>>
      %gather3A_834 = tpu.vector_load_idx %gather3A_833[%add3A_828, %broadcast_in_dim3A_808] : memref<64x128xf32, #tpu.memory_space<vmem>>[vector<16xi32>, vector<16xi32>], vector<16xf32>,
      %broadcast_in_dim3A_835 = vector.broadcast %add3A_783 : i32 to vector<16xi32>
      %scatter3A_836 = arith.constant 0 : i32
      %scatter3A_837 = arith.constant 0 : i32
      %scatter3A_838 = arith.constant 0 : i32
      %scatter3A_839 = tpu.memref_slice %arg11[%scatter3A_836, %scatter3A_837, %scatter3A_838] : memref<2x128x64xf32, #tpu.memory_space<vmem>> -> memref<1x128x64xf32, #tpu.memory_space<vmem>>
      %scatter3A_840 = tpu.memref_squeeze %scatter3A_839 : memref<1x128x64xf32, #tpu.memory_space<vmem>> -> memref<128x64xf32, #tpu.memory_space<vmem>>
      tpu.vector_store_idx %scatter3A_840[%broadcast_in_dim3A_835, %add3A_828], %gather3A_834 : memref<128x64xf32, #tpu.memory_space<vmem>>[vector<16xi32>, vector<16xi32>], vector<16xf32>,
      %iota3A_841 = tpu.iota {dimensions = array<i32: 0>} : vector<16xi32>
      %add3A_842 = arith.constant 32 : i32
      %add3A_843 = vector.broadcast %add3A_842 : i32 to vector<16xi32>
      %add3A_844 = arith.addi %iota3A_841, %add3A_843 : vector<16xi32>
      %gather3A_845 = arith.constant 3 : i32
      %gather3A_846 = arith.constant 0 : i32
      %gather3A_847 = arith.constant 0 : i32
      %gather3A_848 = tpu.memref_slice %arg10[%gather3A_845, %gather3A_846, %gather3A_847] : memref<8x64x128xf32, #tpu.memory_space<vmem>> -> memref<1x64x128xf32, #tpu.memory_space<vmem>>
      %gather3A_849 = tpu.memref_squeeze %gather3A_848 : memref<1x64x128xf32, #tpu.memory_space<vmem>> -> memref<64x128xf32, #tpu.memory_space<vmem>>
      %gather3A_850 = tpu.vector_load_idx %gather3A_849[%add3A_844, %broadcast_in_dim3A_808] : memref<64x128xf32, #tpu.memory_space<vmem>>[vector<16xi32>, vector<16xi32>], vector<16xf32>,
      %broadcast_in_dim3A_851 = vector.broadcast %add3A_783 : i32 to vector<16xi32>
      %scatter3A_852 = arith.constant 0 : i32
      %scatter3A_853 = arith.constant 0 : i32
      %scatter3A_854 = arith.constant 0 : i32
      %scatter3A_855 = tpu.memref_slice %arg11[%scatter3A_852, %scatter3A_853, %scatter3A_854] : memref<2x128x64xf32, #tpu.memory_space<vmem>> -> memref<1x128x64xf32, #tpu.memory_space<vmem>>
      %scatter3A_856 = tpu.memref_squeeze %scatter3A_855 : memref<1x128x64xf32, #tpu.memory_space<vmem>> -> memref<128x64xf32, #tpu.memory_space<vmem>>
      tpu.vector_store_idx %scatter3A_856[%broadcast_in_dim3A_851, %add3A_844], %gather3A_850 : memref<128x64xf32, #tpu.memory_space<vmem>>[vector<16xi32>, vector<16xi32>], vector<16xf32>,
      %iota3A_857 = tpu.iota {dimensions = array<i32: 0>} : vector<16xi32>
      %add3A_858 = arith.constant 48 : i32
      %add3A_859 = vector.broadcast %add3A_858 : i32 to vector<16xi32>
      %add3A_860 = arith.addi %iota3A_857, %add3A_859 : vector<16xi32>
      %gather3A_861 = arith.constant 3 : i32
      %gather3A_862 = arith.constant 0 : i32
      %gather3A_863 = arith.constant 0 : i32
      %gather3A_864 = tpu.memref_slice %arg10[%gather3A_861, %gather3A_862, %gather3A_863] : memref<8x64x128xf32, #tpu.memory_space<vmem>> -> memref<1x64x128xf32, #tpu.memory_space<vmem>>
      %gather3A_865 = tpu.memref_squeeze %gather3A_864 : memref<1x64x128xf32, #tpu.memory_space<vmem>> -> memref<64x128xf32, #tpu.memory_space<vmem>>
      %gather3A_866 = tpu.vector_load_idx %gather3A_865[%add3A_860, %broadcast_in_dim3A_808] : memref<64x128xf32, #tpu.memory_space<vmem>>[vector<16xi32>, vector<16xi32>], vector<16xf32>,
      %broadcast_in_dim3A_867 = vector.broadcast %add3A_783 : i32 to vector<16xi32>
      %scatter3A_868 = arith.constant 0 : i32
      %scatter3A_869 = arith.constant 0 : i32
      %scatter3A_870 = arith.constant 0 : i32
      %scatter3A_871 = tpu.memref_slice %arg11[%scatter3A_868, %scatter3A_869, %scatter3A_870] : memref<2x128x64xf32, #tpu.memory_space<vmem>> -> memref<1x128x64xf32, #tpu.memory_space<vmem>>
      %scatter3A_872 = tpu.memref_squeeze %scatter3A_871 : memref<1x128x64xf32, #tpu.memory_space<vmem>> -> memref<128x64xf32, #tpu.memory_space<vmem>>
      tpu.vector_store_idx %scatter3A_872[%broadcast_in_dim3A_867, %add3A_860], %gather3A_866 : memref<128x64xf32, #tpu.memory_space<vmem>>[vector<16xi32>, vector<16xi32>], vector<16xf32>,
      %lt3A_873 = arith.constant 31 : i32
      %lt3A_874 = arith.cmpi slt, %scan3A_210, %lt3A_873 : i32
      %convert_element_type3A_875 = arith.extui %lt3A_874 : i1 to i32
      %cond3A_876 = arith.constant 0 : i32
      %cond3A_877 = arith.cmpi ne, %convert_element_type3A_875, %cond3A_876 : i32
      scf.if %cond3A_877 {
        %add3A_972 = arith.constant 4 : i32
        %add3A_973 = arith.addi %add3A_783, %add3A_972 : i32
        %broadcast_in_dim3A_974 = vector.broadcast %add3A_973 : i32 to vector<16xi32>
        %gather3A_975 = tpu.vector_load_idx %arg8[%broadcast_in_dim3A_974] : memref<128xi32, #tpu.memory_space<vmem>>[vector<16xi32>], vector<16xi32>,
        %slice3A_976 = vector.extract_strided_slice %gather3A_975 {offsets = [0], sizes = [1], strides = [1]} : vector<16xi32> to vector<1xi32>
        %squeeze3A_977 = vector.extract %slice3A_976[0] : i32 from vector<1xi32>
        %shift_right_arithmetic3A_978 = arith.constant 7 : i32
        %shift_right_arithmetic3A_979 = arith.shrsi %squeeze3A_977, %shift_right_arithmetic3A_978 : i32
        %mul3A_980 = arith.constant 128 : i32
        %mul3A_981 = arith.muli %shift_right_arithmetic3A_979, %mul3A_980 : i32
        %multiple_of3A_982 = tpu.assume_multiple %mul3A_981, 128 : i32
        %dma_start3A_983 = arith.constant 3 : i32
        %dma_start3A_984 = arith.constant 3 : i32
        %dma_start3A_985 = arith.constant 0 : i32
        %dma_start3A_986 = arith.constant 0 : i32
        %dma_start3A_987 = tpu.memref_slice %arg10[%dma_start3A_983, %dma_start3A_985, %dma_start3A_986] : memref<8x64x128xf32, #tpu.memory_space<vmem>> -> memref<1x64x128xf32, #tpu.memory_space<vmem>>
        %dma_start3A_988 = tpu.memref_squeeze %dma_start3A_987 : memref<1x64x128xf32, #tpu.memory_space<vmem>> -> memref<64x128xf32, #tpu.memory_space<vmem>>
        %dma_start3A_989 = arith.constant 0 : i32
        %dma_start3A_990 = tpu.memref_slice %arg4[%dma_start3A_989, %multiple_of3A_982] : memref<64x1000000xf32, #tpu.memory_space<hbm>> -> memref<64x128xf32, #tpu.memory_space<hbm>>
        %dma_start3A_991 = tpu.memref_slice %arg12[%dma_start3A_984] : memref<8x!tpu.dma_semaphore, #tpu.memory_space<semaphore_mem>> -> memref<1x!tpu.dma_semaphore, #tpu.memory_space<semaphore_mem>>
        %dma_start3A_992 = tpu.memref_squeeze %dma_start3A_991 : memref<1x!tpu.dma_semaphore, #tpu.memory_space<semaphore_mem>> -> memref<!tpu.dma_semaphore, #tpu.memory_space<semaphore_mem>>
        %dma_start3A_993 = arith.constant 0 : i32
        %dma_start3A_994 = arith.constant 0 : i32
        %dma_start3A_995 = tpu.memref_slice %arg10[%dma_start3A_983, %dma_start3A_993, %dma_start3A_994] : memref<8x64x128xf32, #tpu.memory_space<vmem>> -> memref<1x64x128xf32, #tpu.memory_space<vmem>>
        %dma_start3A_996 = tpu.memref_squeeze %dma_start3A_995 : memref<1x64x128xf32, #tpu.memory_space<vmem>> -> memref<64x128xf32, #tpu.memory_space<vmem>>
        %dma_start3A_997 = arith.constant 0 : i32
        %dma_start3A_998 = tpu.memref_slice %arg4[%dma_start3A_997, %multiple_of3A_982] : memref<64x1000000xf32, #tpu.memory_space<hbm>> -> memref<64x128xf32, #tpu.memory_space<hbm>>
        tpu.enqueue_dma source(%dma_start3A_998 : memref<64x128xf32, #tpu.memory_space<hbm>>) target(%dma_start3A_996 : memref<64x128xf32, #tpu.memory_space<vmem>>) target_semaphore(%dma_start3A_992 : memref<!tpu.dma_semaphore, #tpu.memory_space<semaphore_mem>>)
      } else {
      }
      %dma_wait3A_878 = arith.constant 7 : i32
      %dma_wait3A_879 = arith.constant 7 : i32
      %dma_wait3A_880 = arith.constant 0 : i32
      %dma_wait3A_881 = arith.constant 0 : i32
      %dma_wait3A_882 = tpu.memref_slice %arg10[%dma_wait3A_878, %dma_wait3A_880, %dma_wait3A_881] : memref<8x64x128xf32, #tpu.memory_space<vmem>> -> memref<1x64x128xf32, #tpu.memory_space<vmem>>
      %dma_wait3A_883 = tpu.memref_squeeze %dma_wait3A_882 : memref<1x64x128xf32, #tpu.memory_space<vmem>> -> memref<64x128xf32, #tpu.memory_space<vmem>>
      %dma_wait3A_884 = arith.constant 0 : i32
      %dma_wait3A_885 = arith.constant 0 : i32
      %dma_wait3A_886 = tpu.memref_slice %arg5[%dma_wait3A_884, %dma_wait3A_885] : memref<64x1000000xf32, #tpu.memory_space<hbm>> -> memref<64x128xf32, #tpu.memory_space<hbm>>
      %dma_wait3A_887 = tpu.memref_slice %arg12[%dma_wait3A_879] : memref<8x!tpu.dma_semaphore, #tpu.memory_space<semaphore_mem>> -> memref<1x!tpu.dma_semaphore, #tpu.memory_space<semaphore_mem>>
      %dma_wait3A_888 = tpu.memref_squeeze %dma_wait3A_887 : memref<1x!tpu.dma_semaphore, #tpu.memory_space<semaphore_mem>> -> memref<!tpu.dma_semaphore, #tpu.memory_space<semaphore_mem>>
      %dma_wait3A_889 = arith.constant 0 : i32
      %dma_wait3A_890 = arith.constant 0 : i32
      %dma_wait3A_891 = tpu.memref_slice %arg10[%dma_wait3A_878, %dma_wait3A_889, %dma_wait3A_890] : memref<8x64x128xf32, #tpu.memory_space<vmem>> -> memref<1x64x128xf32, #tpu.memory_space<vmem>>
      %dma_wait3A_892 = tpu.memref_squeeze %dma_wait3A_891 : memref<1x64x128xf32, #tpu.memory_space<vmem>> -> memref<64x128xf32, #tpu.memory_space<vmem>>
      %dma_wait3A_893 = arith.constant 0 : i32
      %dma_wait3A_894 = arith.constant 0 : i32
      %dma_wait3A_895 = tpu.memref_slice %arg5[%dma_wait3A_893, %dma_wait3A_894] : memref<64x1000000xf32, #tpu.memory_space<hbm>> -> memref<64x128xf32, #tpu.memory_space<hbm>>
      tpu.wait_dma2 semaphore(%dma_wait3A_888 : memref<!tpu.dma_semaphore, #tpu.memory_space<semaphore_mem>>) src(%dma_wait3A_895 : memref<64x128xf32, #tpu.memory_space<hbm>>) dst(%dma_wait3A_892 : memref<64x128xf32, #tpu.memory_space<vmem>>)
      %broadcast_in_dim3A_896 = vector.broadcast %add3A_783 : i32 to vector<16xi32>
      %gather3A_897 = tpu.vector_load_idx %arg9[%broadcast_in_dim3A_896] : memref<128xi32, #tpu.memory_space<vmem>>[vector<16xi32>], vector<16xi32>,
      %slice3A_898 = vector.extract_strided_slice %gather3A_897 {offsets = [0], sizes = [1], strides = [1]} : vector<16xi32> to vector<1xi32>
      %squeeze3A_899 = vector.extract %slice3A_898[0] : i32 from vector<1xi32>
      %and3A_900 = arith.constant 127 : i32
      %and3A_901 = arith.andi %squeeze3A_899, %and3A_900 : i32
      %broadcast_in_dim3A_902 = vector.broadcast %and3A_901 : i32 to vector<16xi32>
      %iota3A_903 = tpu.iota {dimensions = array<i32: 0>} : vector<16xi32>
      %add3A_904 = arith.constant 0 : i32
      %add3A_905 = vector.broadcast %add3A_904 : i32 to vector<16xi32>
      %add3A_906 = arith.addi %iota3A_903, %add3A_905 : vector<16xi32>
      %gather3A_907 = arith.constant 7 : i32
      %gather3A_908 = arith.constant 0 : i32
      %gather3A_909 = arith.constant 0 : i32
      %gather3A_910 = tpu.memref_slice %arg10[%gather3A_907, %gather3A_908, %gather3A_909] : memref<8x64x128xf32, #tpu.memory_space<vmem>> -> memref<1x64x128xf32, #tpu.memory_space<vmem>>
      %gather3A_911 = tpu.memref_squeeze %gather3A_910 : memref<1x64x128xf32, #tpu.memory_space<vmem>> -> memref<64x128xf32, #tpu.memory_space<vmem>>
      %gather3A_912 = tpu.vector_load_idx %gather3A_911[%add3A_906, %broadcast_in_dim3A_902] : memref<64x128xf32, #tpu.memory_space<vmem>>[vector<16xi32>, vector<16xi32>], vector<16xf32>,
      %broadcast_in_dim3A_913 = vector.broadcast %add3A_783 : i32 to vector<16xi32>
      %scatter3A_914 = arith.constant 1 : i32
      %scatter3A_915 = arith.constant 0 : i32
      %scatter3A_916 = arith.constant 0 : i32
      %scatter3A_917 = tpu.memref_slice %arg11[%scatter3A_914, %scatter3A_915, %scatter3A_916] : memref<2x128x64xf32, #tpu.memory_space<vmem>> -> memref<1x128x64xf32, #tpu.memory_space<vmem>>
      %scatter3A_918 = tpu.memref_squeeze %scatter3A_917 : memref<1x128x64xf32, #tpu.memory_space<vmem>> -> memref<128x64xf32, #tpu.memory_space<vmem>>
      tpu.vector_store_idx %scatter3A_918[%broadcast_in_dim3A_913, %add3A_906], %gather3A_912 : memref<128x64xf32, #tpu.memory_space<vmem>>[vector<16xi32>, vector<16xi32>], vector<16xf32>,
      %iota3A_919 = tpu.iota {dimensions = array<i32: 0>} : vector<16xi32>
      %add3A_920 = arith.constant 16 : i32
      %add3A_921 = vector.broadcast %add3A_920 : i32 to vector<16xi32>
      %add3A_922 = arith.addi %iota3A_919, %add3A_921 : vector<16xi32>
      %gather3A_923 = arith.constant 7 : i32
      %gather3A_924 = arith.constant 0 : i32
      %gather3A_925 = arith.constant 0 : i32
      %gather3A_926 = tpu.memref_slice %arg10[%gather3A_923, %gather3A_924, %gather3A_925] : memref<8x64x128xf32, #tpu.memory_space<vmem>> -> memref<1x64x128xf32, #tpu.memory_space<vmem>>
      %gather3A_927 = tpu.memref_squeeze %gather3A_926 : memref<1x64x128xf32, #tpu.memory_space<vmem>> -> memref<64x128xf32, #tpu.memory_space<vmem>>
      %gather3A_928 = tpu.vector_load_idx %gather3A_927[%add3A_922, %broadcast_in_dim3A_902] : memref<64x128xf32, #tpu.memory_space<vmem>>[vector<16xi32>, vector<16xi32>], vector<16xf32>,
      %broadcast_in_dim3A_929 = vector.broadcast %add3A_783 : i32 to vector<16xi32>
      %scatter3A_930 = arith.constant 1 : i32
      %scatter3A_931 = arith.constant 0 : i32
      %scatter3A_932 = arith.constant 0 : i32
      %scatter3A_933 = tpu.memref_slice %arg11[%scatter3A_930, %scatter3A_931, %scatter3A_932] : memref<2x128x64xf32, #tpu.memory_space<vmem>> -> memref<1x128x64xf32, #tpu.memory_space<vmem>>
      %scatter3A_934 = tpu.memref_squeeze %scatter3A_933 : memref<1x128x64xf32, #tpu.memory_space<vmem>> -> memref<128x64xf32, #tpu.memory_space<vmem>>
      tpu.vector_store_idx %scatter3A_934[%broadcast_in_dim3A_929, %add3A_922], %gather3A_928 : memref<128x64xf32, #tpu.memory_space<vmem>>[vector<16xi32>, vector<16xi32>], vector<16xf32>,
      %iota3A_935 = tpu.iota {dimensions = array<i32: 0>} : vector<16xi32>
      %add3A_936 = arith.constant 32 : i32
      %add3A_937 = vector.broadcast %add3A_936 : i32 to vector<16xi32>
      %add3A_938 = arith.addi %iota3A_935, %add3A_937 : vector<16xi32>
      %gather3A_939 = arith.constant 7 : i32
      %gather3A_940 = arith.constant 0 : i32
      %gather3A_941 = arith.constant 0 : i32
      %gather3A_942 = tpu.memref_slice %arg10[%gather3A_939, %gather3A_940, %gather3A_941] : memref<8x64x128xf32, #tpu.memory_space<vmem>> -> memref<1x64x128xf32, #tpu.memory_space<vmem>>
      %gather3A_943 = tpu.memref_squeeze %gather3A_942 : memref<1x64x128xf32, #tpu.memory_space<vmem>> -> memref<64x128xf32, #tpu.memory_space<vmem>>
      %gather3A_944 = tpu.vector_load_idx %gather3A_943[%add3A_938, %broadcast_in_dim3A_902] : memref<64x128xf32, #tpu.memory_space<vmem>>[vector<16xi32>, vector<16xi32>], vector<16xf32>,
      %broadcast_in_dim3A_945 = vector.broadcast %add3A_783 : i32 to vector<16xi32>
      %scatter3A_946 = arith.constant 1 : i32
      %scatter3A_947 = arith.constant 0 : i32
      %scatter3A_948 = arith.constant 0 : i32
      %scatter3A_949 = tpu.memref_slice %arg11[%scatter3A_946, %scatter3A_947, %scatter3A_948] : memref<2x128x64xf32, #tpu.memory_space<vmem>> -> memref<1x128x64xf32, #tpu.memory_space<vmem>>
      %scatter3A_950 = tpu.memref_squeeze %scatter3A_949 : memref<1x128x64xf32, #tpu.memory_space<vmem>> -> memref<128x64xf32, #tpu.memory_space<vmem>>
      tpu.vector_store_idx %scatter3A_950[%broadcast_in_dim3A_945, %add3A_938], %gather3A_944 : memref<128x64xf32, #tpu.memory_space<vmem>>[vector<16xi32>, vector<16xi32>], vector<16xf32>,
      %iota3A_951 = tpu.iota {dimensions = array<i32: 0>} : vector<16xi32>
      %add3A_952 = arith.constant 48 : i32
      %add3A_953 = vector.broadcast %add3A_952 : i32 to vector<16xi32>
      %add3A_954 = arith.addi %iota3A_951, %add3A_953 : vector<16xi32>
      %gather3A_955 = arith.constant 7 : i32
      %gather3A_956 = arith.constant 0 : i32
      %gather3A_957 = arith.constant 0 : i32
      %gather3A_958 = tpu.memref_slice %arg10[%gather3A_955, %gather3A_956, %gather3A_957] : memref<8x64x128xf32, #tpu.memory_space<vmem>> -> memref<1x64x128xf32, #tpu.memory_space<vmem>>
      %gather3A_959 = tpu.memref_squeeze %gather3A_958 : memref<1x64x128xf32, #tpu.memory_space<vmem>> -> memref<64x128xf32, #tpu.memory_space<vmem>>
      %gather3A_960 = tpu.vector_load_idx %gather3A_959[%add3A_954, %broadcast_in_dim3A_902] : memref<64x128xf32, #tpu.memory_space<vmem>>[vector<16xi32>, vector<16xi32>], vector<16xf32>,
      %broadcast_in_dim3A_961 = vector.broadcast %add3A_783 : i32 to vector<16xi32>
      %scatter3A_962 = arith.constant 1 : i32
      %scatter3A_963 = arith.constant 0 : i32
      %scatter3A_964 = arith.constant 0 : i32
      %scatter3A_965 = tpu.memref_slice %arg11[%scatter3A_962, %scatter3A_963, %scatter3A_964] : memref<2x128x64xf32, #tpu.memory_space<vmem>> -> memref<1x128x64xf32, #tpu.memory_space<vmem>>
      %scatter3A_966 = tpu.memref_squeeze %scatter3A_965 : memref<1x128x64xf32, #tpu.memory_space<vmem>> -> memref<128x64xf32, #tpu.memory_space<vmem>>
      tpu.vector_store_idx %scatter3A_966[%broadcast_in_dim3A_961, %add3A_954], %gather3A_960 : memref<128x64xf32, #tpu.memory_space<vmem>>[vector<16xi32>, vector<16xi32>], vector<16xf32>,
      %lt3A_967 = arith.constant 31 : i32
      %lt3A_968 = arith.cmpi slt, %scan3A_210, %lt3A_967 : i32
      %convert_element_type3A_969 = arith.extui %lt3A_968 : i1 to i32
      %cond3A_970 = arith.constant 0 : i32
      %cond3A_971 = arith.cmpi ne, %convert_element_type3A_969, %cond3A_970 : i32
      scf.if %cond3A_971 {
        %add3A_972 = arith.constant 4 : i32
        %add3A_973 = arith.addi %add3A_783, %add3A_972 : i32
        %broadcast_in_dim3A_974 = vector.broadcast %add3A_973 : i32 to vector<16xi32>
        %gather3A_975 = tpu.vector_load_idx %arg9[%broadcast_in_dim3A_974] : memref<128xi32, #tpu.memory_space<vmem>>[vector<16xi32>], vector<16xi32>,
        %slice3A_976 = vector.extract_strided_slice %gather3A_975 {offsets = [0], sizes = [1], strides = [1]} : vector<16xi32> to vector<1xi32>
        %squeeze3A_977 = vector.extract %slice3A_976[0] : i32 from vector<1xi32>
        %shift_right_arithmetic3A_978 = arith.constant 7 : i32
        %shift_right_arithmetic3A_979 = arith.shrsi %squeeze3A_977, %shift_right_arithmetic3A_978 : i32
        %mul3A_980 = arith.constant 128 : i32
        %mul3A_981 = arith.muli %shift_right_arithmetic3A_979, %mul3A_980 : i32
        %multiple_of3A_982 = tpu.assume_multiple %mul3A_981, 128 : i32
        %dma_start3A_983 = arith.constant 7 : i32
        %dma_start3A_984 = arith.constant 7 : i32
        %dma_start3A_985 = arith.constant 0 : i32
        %dma_start3A_986 = arith.constant 0 : i32
        %dma_start3A_987 = tpu.memref_slice %arg10[%dma_start3A_983, %dma_start3A_985, %dma_start3A_986] : memref<8x64x128xf32, #tpu.memory_space<vmem>> -> memref<1x64x128xf32, #tpu.memory_space<vmem>>
        %dma_start3A_988 = tpu.memref_squeeze %dma_start3A_987 : memref<1x64x128xf32, #tpu.memory_space<vmem>> -> memref<64x128xf32, #tpu.memory_space<vmem>>
        %dma_start3A_989 = arith.constant 0 : i32
        %dma_start3A_990 = tpu.memref_slice %arg5[%dma_start3A_989, %multiple_of3A_982] : memref<64x1000000xf32, #tpu.memory_space<hbm>> -> memref<64x128xf32, #tpu.memory_space<hbm>>
        %dma_start3A_991 = tpu.memref_slice %arg12[%dma_start3A_984] : memref<8x!tpu.dma_semaphore, #tpu.memory_space<semaphore_mem>> -> memref<1x!tpu.dma_semaphore, #tpu.memory_space<semaphore_mem>>
        %dma_start3A_992 = tpu.memref_squeeze %dma_start3A_991 : memref<1x!tpu.dma_semaphore, #tpu.memory_space<semaphore_mem>> -> memref<!tpu.dma_semaphore, #tpu.memory_space<semaphore_mem>>
        %dma_start3A_993 = arith.constant 0 : i32
        %dma_start3A_994 = arith.constant 0 : i32
        %dma_start3A_995 = tpu.memref_slice %arg10[%dma_start3A_983, %dma_start3A_993, %dma_start3A_994] : memref<8x64x128xf32, #tpu.memory_space<vmem>> -> memref<1x64x128xf32, #tpu.memory_space<vmem>>
        %dma_start3A_996 = tpu.memref_squeeze %dma_start3A_995 : memref<1x64x128xf32, #tpu.memory_space<vmem>> -> memref<64x128xf32, #tpu.memory_space<vmem>>
        %dma_start3A_997 = arith.constant 0 : i32
        %dma_start3A_998 = tpu.memref_slice %arg5[%dma_start3A_997, %multiple_of3A_982] : memref<64x1000000xf32, #tpu.memory_space<hbm>> -> memref<64x128xf32, #tpu.memory_space<hbm>>
        tpu.enqueue_dma source(%dma_start3A_998 : memref<64x128xf32, #tpu.memory_space<hbm>>) target(%dma_start3A_996 : memref<64x128xf32, #tpu.memory_space<vmem>>) target_semaphore(%dma_start3A_992 : memref<!tpu.dma_semaphore, #tpu.memory_space<semaphore_mem>>)
      } else {
      }
    }
    %scan3A_208 = arith.constant 32 : i32
    %run_scoped3A = arith.constant 0 : i32
    "tpu.region"() ({
      %run_scoped3A_210 = tpu.sem_alloc : memref<!tpu.dma_semaphore, #tpu.memory_space<semaphore_mem>>
      %dma_start3A_211 = arith.constant 0 : i32
      %dma_start3A_212 = arith.constant 0 : i32
      %dma_start3A_213 = tpu.memref_slice %arg11[%run_scoped3A, %dma_start3A_211, %dma_start3A_212] : memref<2x128x64xf32, #tpu.memory_space<vmem>> -> memref<1x128x64xf32, #tpu.memory_space<vmem>>
      %dma_start3A_214 = tpu.memref_squeeze %dma_start3A_213 : memref<1x128x64xf32, #tpu.memory_space<vmem>> -> memref<128x64xf32, #tpu.memory_space<vmem>>
      %dma_start3A_215 = arith.constant 0 : i32
      %dma_start3A_216 = tpu.memref_slice %arg6[%mul3A_2, %dma_start3A_215] : memref<4096x64xf32, #tpu.memory_space<hbm>> -> memref<128x64xf32, #tpu.memory_space<hbm>>
      %dma_start3A_217 = arith.constant 0 : i32
      %dma_start3A_218 = tpu.memref_slice %arg6[%mul3A_2, %dma_start3A_217] : memref<4096x64xf32, #tpu.memory_space<hbm>> -> memref<128x64xf32, #tpu.memory_space<hbm>>
      %dma_start3A_219 = arith.constant 0 : i32
      %dma_start3A_220 = arith.constant 0 : i32
      %dma_start3A_221 = tpu.memref_slice %arg11[%run_scoped3A, %dma_start3A_219, %dma_start3A_220] : memref<2x128x64xf32, #tpu.memory_space<vmem>> -> memref<1x128x64xf32, #tpu.memory_space<vmem>>
      %dma_start3A_222 = tpu.memref_squeeze %dma_start3A_221 : memref<1x128x64xf32, #tpu.memory_space<vmem>> -> memref<128x64xf32, #tpu.memory_space<vmem>>
      tpu.enqueue_dma source(%dma_start3A_222 : memref<128x64xf32, #tpu.memory_space<vmem>>) target(%dma_start3A_218 : memref<128x64xf32, #tpu.memory_space<hbm>>) target_semaphore(%run_scoped3A_210 : memref<!tpu.dma_semaphore, #tpu.memory_space<semaphore_mem>>)
      %dma_wait3A = arith.constant 0 : i32
      %dma_wait3A_223 = arith.constant 0 : i32
      %dma_wait3A_224 = tpu.memref_slice %arg11[%run_scoped3A, %dma_wait3A, %dma_wait3A_223] : memref<2x128x64xf32, #tpu.memory_space<vmem>> -> memref<1x128x64xf32, #tpu.memory_space<vmem>>
      %dma_wait3A_225 = tpu.memref_squeeze %dma_wait3A_224 : memref<1x128x64xf32, #tpu.memory_space<vmem>> -> memref<128x64xf32, #tpu.memory_space<vmem>>
      %dma_wait3A_226 = arith.constant 0 : i32
      %dma_wait3A_227 = tpu.memref_slice %arg6[%mul3A_2, %dma_wait3A_226] : memref<4096x64xf32, #tpu.memory_space<hbm>> -> memref<128x64xf32, #tpu.memory_space<hbm>>
      %dma_wait3A_228 = arith.constant 0 : i32
      %dma_wait3A_229 = tpu.memref_slice %arg6[%mul3A_2, %dma_wait3A_228] : memref<4096x64xf32, #tpu.memory_space<hbm>> -> memref<128x64xf32, #tpu.memory_space<hbm>>
      %dma_wait3A_230 = arith.constant 0 : i32
      %dma_wait3A_231 = arith.constant 0 : i32
      %dma_wait3A_232 = tpu.memref_slice %arg11[%run_scoped3A, %dma_wait3A_230, %dma_wait3A_231] : memref<2x128x64xf32, #tpu.memory_space<vmem>> -> memref<1x128x64xf32, #tpu.memory_space<vmem>>
      %dma_wait3A_233 = tpu.memref_squeeze %dma_wait3A_232 : memref<1x128x64xf32, #tpu.memory_space<vmem>> -> memref<128x64xf32, #tpu.memory_space<vmem>>
      tpu.wait_dma2 semaphore(%run_scoped3A_210 : memref<!tpu.dma_semaphore, #tpu.memory_space<semaphore_mem>>) src(%dma_wait3A_233 : memref<128x64xf32, #tpu.memory_space<vmem>>) dst(%dma_wait3A_229 : memref<128x64xf32, #tpu.memory_space<hbm>>)
      tpu.yield
    }) : () -> ()
    %run_scoped3A_209 = arith.constant 1 : i32
    "tpu.region"() ({
      %run_scoped3A_210 = tpu.sem_alloc : memref<!tpu.dma_semaphore, #tpu.memory_space<semaphore_mem>>
      %dma_start3A_211 = arith.constant 0 : i32
      %dma_start3A_212 = arith.constant 0 : i32
      %dma_start3A_213 = tpu.memref_slice %arg11[%run_scoped3A_209, %dma_start3A_211, %dma_start3A_212] : memref<2x128x64xf32, #tpu.memory_space<vmem>> -> memref<1x128x64xf32, #tpu.memory_space<vmem>>
      %dma_start3A_214 = tpu.memref_squeeze %dma_start3A_213 : memref<1x128x64xf32, #tpu.memory_space<vmem>> -> memref<128x64xf32, #tpu.memory_space<vmem>>
      %dma_start3A_215 = arith.constant 0 : i32
      %dma_start3A_216 = tpu.memref_slice %arg7[%mul3A_2, %dma_start3A_215] : memref<4096x64xf32, #tpu.memory_space<hbm>> -> memref<128x64xf32, #tpu.memory_space<hbm>>
      %dma_start3A_217 = arith.constant 0 : i32
      %dma_start3A_218 = tpu.memref_slice %arg7[%mul3A_2, %dma_start3A_217] : memref<4096x64xf32, #tpu.memory_space<hbm>> -> memref<128x64xf32, #tpu.memory_space<hbm>>
      %dma_start3A_219 = arith.constant 0 : i32
      %dma_start3A_220 = arith.constant 0 : i32
      %dma_start3A_221 = tpu.memref_slice %arg11[%run_scoped3A_209, %dma_start3A_219, %dma_start3A_220] : memref<2x128x64xf32, #tpu.memory_space<vmem>> -> memref<1x128x64xf32, #tpu.memory_space<vmem>>
      %dma_start3A_222 = tpu.memref_squeeze %dma_start3A_221 : memref<1x128x64xf32, #tpu.memory_space<vmem>> -> memref<128x64xf32, #tpu.memory_space<vmem>>
      tpu.enqueue_dma source(%dma_start3A_222 : memref<128x64xf32, #tpu.memory_space<vmem>>) target(%dma_start3A_218 : memref<128x64xf32, #tpu.memory_space<hbm>>) target_semaphore(%run_scoped3A_210 : memref<!tpu.dma_semaphore, #tpu.memory_space<semaphore_mem>>)
      %dma_wait3A = arith.constant 0 : i32
      %dma_wait3A_223 = arith.constant 0 : i32
      %dma_wait3A_224 = tpu.memref_slice %arg11[%run_scoped3A_209, %dma_wait3A, %dma_wait3A_223] : memref<2x128x64xf32, #tpu.memory_space<vmem>> -> memref<1x128x64xf32, #tpu.memory_space<vmem>>
      %dma_wait3A_225 = tpu.memref_squeeze %dma_wait3A_224 : memref<1x128x64xf32, #tpu.memory_space<vmem>> -> memref<128x64xf32, #tpu.memory_space<vmem>>
      %dma_wait3A_226 = arith.constant 0 : i32
      %dma_wait3A_227 = tpu.memref_slice %arg7[%mul3A_2, %dma_wait3A_226] : memref<4096x64xf32, #tpu.memory_space<hbm>> -> memref<128x64xf32, #tpu.memory_space<hbm>>
      %dma_wait3A_228 = arith.constant 0 : i32
      %dma_wait3A_229 = tpu.memref_slice %arg7[%mul3A_2, %dma_wait3A_228] : memref<4096x64xf32, #tpu.memory_space<hbm>> -> memref<128x64xf32, #tpu.memory_space<hbm>>
      %dma_wait3A_230 = arith.constant 0 : i32
      %dma_wait3A_231 = arith.constant 0 : i32
      %dma_wait3A_232 = tpu.memref_slice %arg11[%run_scoped3A_209, %dma_wait3A_230, %dma_wait3A_231] : memref<2x128x64xf32, #tpu.memory_space<vmem>> -> memref<1x128x64xf32, #tpu.memory_space<vmem>>
      %dma_wait3A_233 = tpu.memref_squeeze %dma_wait3A_232 : memref<1x128x64xf32, #tpu.memory_space<vmem>> -> memref<128x64xf32, #tpu.memory_space<vmem>>
      tpu.wait_dma2 semaphore(%run_scoped3A_210 : memref<!tpu.dma_semaphore, #tpu.memory_space<semaphore_mem>>) src(%dma_wait3A_233 : memref<128x64xf32, #tpu.memory_space<vmem>>) dst(%dma_wait3A_229 : memref<128x64xf32, #tpu.memory_space<hbm>>)
      tpu.yield
    }) : () -> ()
    return
  }
}

module attributes {stable_mosaic.version = 14 : i64} {
  func.func @_loss_body(%arg0: i32, %arg1: memref<2048x64xf32, #tpu.memory_space<vmem>>, %arg2: memref<2048x64xf32, #tpu.memory_space<vmem>>, %arg3: memref<4096x64xf32, #tpu.memory_space<vmem>>, %arg4: memref<1xf32, #tpu.memory_space<smem>>, %arg5: memref<2xf32, #tpu.memory_space<smem>>) attributes {dimension_semantics = [#tpu.dimension_semantics<arbitrary>], iteration_bounds = array<i64: 2>, scalar_prefetch = 0 : i64, scratch_operands = 1 : i64, tpu.core_type = #tpu.core_type<tc>, window_params = [{transform_indices = @transform_0, window_bounds = array<i64: 2048, 64>}, {transform_indices = @transform_1, window_bounds = array<i64: 2048, 64>}, {pipeline_mode = #tpu.pipeline_mode<synchronous>, transform_indices = @transform_2, window_bounds = array<i64: 4096, 64>}, {transform_indices = @transform_3, window_bounds = array<i64: 1>}]} {
    %eq3A = arith.constant 0 : i32
    %eq3A_0 = arith.cmpi eq, %arg0, %eq3A : i32
    %convert_element_type3A = arith.extui %eq3A_0 : i1 to i32
    %cond3A = arith.constant 0 : i32
    %cond3A_1 = arith.cmpi ne, %convert_element_type3A, %cond3A : i32
    scf.if %cond3A_1 {
      %swap3A_35 = arith.constant 0.000000e+00 : f32
      %swap3A_36 = arith.constant 0 : index
      %swap3A_37 = memref.load %arg5[%swap3A_36] : memref<2xf32, #tpu.memory_space<smem>>
      memref.store %swap3A_35, %arg5[%swap3A_36] : memref<2xf32, #tpu.memory_space<smem>>
      %swap3A_38 = arith.constant 0.000000e+00 : f32
      %swap3A_39 = arith.constant 1 : index
      %swap3A_40 = memref.load %arg5[%swap3A_39] : memref<2xf32, #tpu.memory_space<smem>>
      memref.store %swap3A_38, %arg5[%swap3A_39] : memref<2xf32, #tpu.memory_space<smem>>
    } else {
    }
    %get3A = arith.constant 0 : index
    %get3A_2 = arith.constant 0 : index
    %get3A_3 = vector.load %arg1[%get3A, %get3A_2] : memref<2048x64xf32, #tpu.memory_space<vmem>>, vector<2048x64xf32>
    %convert_element_type3A_4 = arith.truncf %get3A_3 : vector<2048x64xf32> to vector<2048x64xbf16>
    %get3A_5 = arith.constant 0 : index
    %get3A_6 = arith.constant 0 : index
    %get3A_7 = vector.load %arg3[%get3A_5, %get3A_6] : memref<4096x64xf32, #tpu.memory_space<vmem>>, vector<4096x64xf32>
    %convert_element_type3A_8 = arith.truncf %get3A_7 : vector<4096x64xf32> to vector<4096x64xbf16>
    %dot_general3A = arith.constant dense<0.000000e+00> : vector<2048x4096xf32>
    %dot_general3A_9 = tpu.matmul %convert_element_type3A_4, %convert_element_type3A_8, %dot_general3A {dimension_numbers = #tpu.dot_dimension_numbers<[1], [1], [0], [0], [0, 0, 1, 0], [], []>, transpose_lhs_hint = false} : vector<2048x64xbf16>, vector<4096x64xbf16>, vector<2048x4096xf32> -> vector<2048x4096xf32>
    %get3A_10 = arith.constant 0 : index
    %get3A_11 = memref.load %arg5[%get3A_10] : memref<2xf32, #tpu.memory_space<smem>>
    %exp3A = math.exp %dot_general3A_9 : vector<2048x4096xf32>
    %reduce_sum3A = vector.shape_cast %exp3A : vector<2048x4096xf32> to vector<1x2048x4096xf32>
    %reduce_sum3A_12 = arith.constant dense<0.000000e+00> : vector<1xf32>
    %reduce_sum3A_13 = vector.multi_reduction <add>, %reduce_sum3A, %reduce_sum3A_12 [1, 2] : vector<1x2048x4096xf32> to vector<1xf32>
    %reduce_sum3A_14 = vector.shape_cast %reduce_sum3A_13 : vector<1xf32> to vector<1x1x1xf32>
    %reduce_sum3A_15 = vector.extract %reduce_sum3A_14[0, 0, 0] : f32 from vector<1x1x1xf32>
    %add3A = arith.addf %get3A_11, %reduce_sum3A_15 : f32
    %swap3A = arith.constant 0 : index
    %swap3A_16 = memref.load %arg5[%swap3A] : memref<2xf32, #tpu.memory_space<smem>>
    memref.store %add3A, %arg5[%swap3A] : memref<2xf32, #tpu.memory_space<smem>>
    %get3A_17 = arith.constant 1 : index
    %get3A_18 = memref.load %arg5[%get3A_17] : memref<2xf32, #tpu.memory_space<smem>>
    %get3A_19 = arith.constant 0 : index
    %get3A_20 = arith.constant 0 : index
    %get3A_21 = vector.load %arg2[%get3A_19, %get3A_20] : memref<2048x64xf32, #tpu.memory_space<vmem>>, vector<2048x64xf32>
    %mul3A = arith.mulf %get3A_3, %get3A_21 : vector<2048x64xf32>
    %reduce_sum3A_22 = vector.shape_cast %mul3A : vector<2048x64xf32> to vector<1x2048x64xf32>
    %reduce_sum3A_23 = arith.constant dense<0.000000e+00> : vector<1xf32>
    %reduce_sum3A_24 = vector.multi_reduction <add>, %reduce_sum3A_22, %reduce_sum3A_23 [1, 2] : vector<1x2048x64xf32> to vector<1xf32>
    %reduce_sum3A_25 = vector.shape_cast %reduce_sum3A_24 : vector<1xf32> to vector<1x1x1xf32>
    %reduce_sum3A_26 = vector.extract %reduce_sum3A_25[0, 0, 0] : f32 from vector<1x1x1xf32>
    %add3A_27 = arith.addf %get3A_18, %reduce_sum3A_26 : f32
    %swap3A_28 = arith.constant 1 : index
    %swap3A_29 = memref.load %arg5[%swap3A_28] : memref<2xf32, #tpu.memory_space<smem>>
    memref.store %add3A_27, %arg5[%swap3A_28] : memref<2xf32, #tpu.memory_space<smem>>
    %eq3A_30 = arith.constant 1 : i32
    %eq3A_31 = arith.cmpi eq, %arg0, %eq3A_30 : i32
    %convert_element_type3A_32 = arith.extui %eq3A_31 : i1 to i32
    %cond3A_33 = arith.constant 0 : i32
    %cond3A_34 = arith.cmpi ne, %convert_element_type3A_32, %cond3A_33 : i32
    scf.if %cond3A_34 {
      %get3A_35 = arith.constant 0 : index
      %get3A_36 = memref.load %arg5[%get3A_35] : memref<2xf32, #tpu.memory_space<smem>>
      %log3A = math.log %get3A_36 : f32
      %get3A_37 = arith.constant 1 : index
      %get3A_38 = memref.load %arg5[%get3A_37] : memref<2xf32, #tpu.memory_space<smem>>
      %div3A = arith.constant 4.096000e+03 : f32
      %div3A_39 = arith.divf %get3A_38, %div3A : f32
      %sub3A = arith.subf %log3A, %div3A_39 : f32
      %swap3A_40 = arith.constant 0 : index
      %swap3A_41 = memref.load %arg4[%swap3A_40] : memref<1xf32, #tpu.memory_space<smem>>
      memref.store %sub3A, %arg4[%swap3A_40] : memref<1xf32, #tpu.memory_space<smem>>
    } else {
    }
    return
  }
  func.func @transform_0(%arg0: i32) -> (i32, i32) {
    %c0_i32 = arith.constant 0 : i32
    %c0_i32_0 = arith.constant 0 : i32
    return %arg0, %c0_i32 : i32, i32
  }
  func.func @transform_1(%arg0: i32) -> (i32, i32) {
    %c0_i32 = arith.constant 0 : i32
    %c0_i32_0 = arith.constant 0 : i32
    return %arg0, %c0_i32 : i32, i32
  }
  func.func @transform_2(%arg0: i32) -> (i32, i32) {
    %c0_i32 = arith.constant 0 : i32
    %c0_i32_0 = arith.constant 0 : i32
    %c0_i32_1 = arith.constant 0 : i32
    return %c0_i32, %c0_i32_0 : i32, i32
  }
  func.func @transform_3(%arg0: i32) -> i32 {
    %c0_i32 = arith.constant 0 : i32
    %c0_i32_0 = arith.constant 0 : i32
    return %c0_i32 : i32
  }
}

</mosaic_0001>

<sc_bundles>
// kernel: kernel.4.cloned.1.call-start
scs
__scs_entry_jumppad:
0x0: {  	(pc) =	sbr.rel $0x88, $3  }
0x1: {  	(tag) =	ssettag $0x0;
	lr =	simm.s32 $0x1  }
0x2: {  	[smem:$0x3F9D] =	sst lr;
	_ =	strace $0xD0000000  }
0x3: {  	_ = 	snop  }
0x4: {  	_ = 	snop  }
0x5: {  	_ = 	snop  }
0x6: {  	_ = 	snop  }
0x7: {  	_ = 	snop  }
__scs_overlays_trampoline_lowered:
0x8: {  	[smem:$0x3FAC] =	sst s0  }
0x9: {  	[smem:$0x3FAD] =	sst s1  }
0xa: {  	[smem:$0x3FAE] =	sst s2  }
0xb: {  	[smem:$0x3FAF] =	sst s3  }
0xc: {  	[smem:$0x3FB0] =	sst s4  }
0xd: {  	[smem:$0x3FB1] =	sst s5  }
0xe: {  	[smem:$0x3FB2] =	sst s6  }
0xf: {  	[smem:$0x3FB3] =	sst s7  }
0x10: {  	[smem:$0x3FB4] =	sst s8  }
0x11: {  	[smem:$0x3FB5] =	sst s9;
	s0 =	simm.s32 @!p0 $0x0  }
0x12: {  	s1 =	sld [smem:$0x3F9B];
	s0 =	simm.s32 @p0 $0x1  }
0x13: {  	[smem:$0x3FB6] =	sst s0;
	s0 =	simm.s32 @!p1 $0x0  }
0x14: {  	s2 =	sld [smem:$0x3F9A];
	s0 =	simm.s32 @p1 $0x1  }
0x15: {  	[smem:$0x3FB7] =	sst s0;
	s0 =	simm.s32 @!p2 $0x0  }
0x16: {  	s3 =	sld [smem:$0x3FDB];
	s0 =	simm.s32 @p2 $0x1  }
0x17: {  	s4 =	simm.s32 $0x1BF5;
	[smem:$0x3FB9] =	sst s0  }
0x18: {  	s0 =	sld [smem:$0x3F9C];
	_ =	swait.ge [sflag:s4], $0x0  }
0x19: {  	s7 =	sld [smem:$0x3F9D]  }
0x1a: {  	s8 =	sadd.s32 $0xFFFFE003, lr  }
0x1b: {  	s9 =	sadd.s32 $0xFFFFFEF7, lr;
	s5 =	simm.s32 $0xFFFFFFFF;
	p2 =	slt.u32 s8, $0xFFFFF086  }
0x1c: {  	p1 =	slt.u32 s9, $0xF7A;
	s5 =	simm.s32 @!p2 $0x0  }
0x1d: {  	s5 =	simm.s32 @p1 $0x1;
	p0 =	seq.s32 s7, s2  }
0x1e: {  	s7 =	smul.u32 @!p0 $0xF7A, s2;
	p2 =	seq.s32 @!p0 s5, $0x0  }
0x1f: {  	s9 =	smul.u32 $0xF7A, s1;
	s8 =	simm.s32 @!p0 $0x1BF5;
	p2 =	por !p2, p0  }
0x20: {  	[sflag:s8] =	ssyncset.s32 @!p0 $0xFFFFF086;
	s6 =	sadd.s32 @!p0 s3, s7;
	s7 =	simm.s32 @!p0 $0x108  }
0x21: {  	s3 =	sadd.s32 s3, s9;
	s6 =	sadd.s32 @!p0 $0x88, s6;
	s7 =	simm.s32 @p2 $0x1082  }
0x22: {  	[simem:s7], [sflag:s8] =	dma.local @!p0 [hbm:s6], $0xF7A  }
0x23: {  	s9 =	sor.u32 $0xD0000000, s2;
	s6 =	simm.s32 $0x108;
	_ =	swait.ge @!p0 [sflag:s8], $0x0  }
0x24: {  	s3 =	sadd.s32 $0x88, s3;
	s6 =	simm.s32 @!p1 $0x1082;
	[sflag:s4] =	ssyncset.s32 $0xFFFFF086  }
0x25: {  	[simem:s6], [sflag:s4] =	dma.local [hbm:s3], $0xF7A  }
0x26: {  	[smem:$0x3F9D] =	sst s1;
	(tag) =	ssettag s2;
	_ =	strace s9  }
0x27: {  	s1 =	sld [smem:$0x3FAD]  }
0x28: {  	s2 =	sld [smem:$0x3FAE]  }
0x29: {  	s4 =	sld [smem:$0x3FB0]  }
0x2a: {  	p0 =	seq.s32 s5, $0x0;
	s5 =	sld [smem:$0x3FB1]  }
0x2b: {  	s6 =	sld [smem:$0x3FB2]  }
0x2c: {  	s7 =	sld [smem:$0x3FB3]  }
0x2d: {  	s3 =	simm.s32 $0x108;
	s8 =	sld [smem:$0x3FB4]  }
0x2e: {  	s3 =	simm.s32 @!p0 $0x1082;
	s9 =	sld [smem:$0x3FB5]  }
0x2f: {  	lr =	sadd.s32 s0, s3;
	s0 =	sld [smem:$0x3FAC]  }
0x30: {  	s3 =	sld [smem:$0x3FAF]  }
0x31: {  	[smem:$0x3FB8] =	sst s10  }
0x32: {  	s10 =	sld [smem:$0x3FB6];
	_ =	sdelay $0x3  }
0x33: {  	p0 =	seq.s32 s10, $0x1;
	s10 =	sld [smem:$0x3FB8];
	_ =	sdelay $0x3  }
0x34: {  	[smem:$0x3FB8] =	sst s10  }
0x35: {  	s10 =	sld [smem:$0x3FB7];
	_ =	sdelay $0x3  }
0x36: {  	p1 =	seq.s32 s10, $0x1;
	s10 =	sld [smem:$0x3FB8];
	_ =	sdelay $0x3  }
0x37: {  	[smem:$0x3FB8] =	sst s10  }
0x38: {  	s10 =	sld [smem:$0x3FB9]  }
0x39: {  	_ = 	snop;
	(pc) =	sbr.ind lr, $3  }
0x3a: {  	_ = 	snop  }
0x3b: {  	_ = 	snop  }
0x3c: {  	p2 =	seq.s32 s10, $0x1;
	s10 =	sld [smem:$0x3FB8]  }
0x3d: {  	_ =	shalt  }
0x3e: {  	_ =	shalt  }
0x3f: {  	_ =	shalt  }
0x40: {  	_ =	shalt  }
0x41: {  	_ =	shalt  }
0x42: {  	_ =	shalt  }
0x43: {  	_ =	shalt  }
0x44: {  	_ =	shalt  }
0x45: {  	_ =	shalt  }
0x46: {  	_ =	shalt  }
0x47: {  	_ =	shalt  }
0x48: {  	_ =	shalt  }
0x49: {  	_ =	shalt  }
0x4a: {  	_ =	shalt  }
0x4b: {  	_ =	shalt  }
0x4c: {  	_ =	shalt  }
0x4d: {  	_ =	shalt  }
0x4e: {  	_ =	shalt  }
0x4f: {  	_ =	shalt  }
0x50: {  	_ =	shalt  }
0x51: {  	_ =	shalt  }
0x52: {  	_ =	shalt  }
0x53: {  	_ =	shalt  }
0x54: {  	_ =	shalt  }
0x55: {  	_ =	shalt  }
0x56: {  	_ =	shalt  }
0x57: {  	_ =	shalt  }
0x58: {  	_ =	shalt  }
0x59: {  	_ =	shalt  }
0x5a: {  	_ =	shalt  }
0x5b: {  	_ =	shalt  }
0x5c: {  	_ =	shalt  }
0x5d: {  	_ =	shalt  }
0x5e: {  	_ =	shalt  }
0x5f: {  	_ =	shalt  }
0x60: {  	_ =	shalt  }
0x61: {  	_ =	shalt  }
0x62: {  	_ =	shalt  }
0x63: {  	_ =	shalt  }
0x64: {  	_ =	shalt  }
0x65: {  	_ =	shalt  }
0x66: {  	_ =	shalt  }
0x67: {  	_ =	shalt  }
0x68: {  	_ =	shalt  }
0x69: {  	_ =	shalt  }
0x6a: {  	_ =	shalt  }
0x6b: {  	_ =	shalt  }
0x6c: {  	_ =	shalt  }
0x6d: {  	_ =	shalt  }
0x6e: {  	_ =	shalt  }
0x6f: {  	_ =	shalt  }
0x70: {  	_ =	shalt  }
0x71: {  	_ =	shalt  }
0x72: {  	_ =	shalt  }
0x73: {  	_ =	shalt  }
0x74: {  	_ =	shalt  }
0x75: {  	_ =	shalt  }
0x76: {  	_ =	shalt  }
0x77: {  	_ =	shalt  }
0x78: {  	_ =	shalt  }
0x79: {  	_ =	shalt  }
0x7a: {  	_ =	shalt  }
0x7b: {  	_ =	shalt  }
0x7c: {  	_ =	shalt  }
0x7d: {  	_ =	shalt  }
0x7e: {  	_ =	shalt  }
0x7f: {  	_ =	shalt  }
0x80: {  	_ =	shalt  }
0x81: {  	_ =	shalt  }
0x82: {  	_ =	shalt  }
0x83: {  	_ =	shalt  }
0x84: {  	_ =	shalt  }
0x85: {  	_ =	shalt  }
0x86: {  	_ =	shalt  }
0x87: {  	_ =	shalt  }
.Lfunc_end0:
.L_simem_size_0:
called_computation_lowered:
.L_overlay_start_0:
0x88: {  	s2 =	sld [smem:$0x3FD9]  }
0x89: {  	s3 =	sld [smem:$0x3FFE];
	_ =	sdelay $0x1  }
0x8a: {  	s1 =	srdreg.scid  }
0x8b: {  	s0 =	sand.u32 $0x1, s1  }
0x8c: {  	s17 =	sshll.u32 s0, $0xA;
	s2 =	sadd.s32 s3, s2  }
0x8d: {  	s2 =	sadd.s32 s2, s17  }
0x8e: {  	[smem:$0x3FC4] =	sst s2  }
0x8f: {  	_ = 	snop  }
0x90: {  	s2 =	sld [smem:$0x3FC9]  }
0x91: {  	s18 =	sld [smem:$0x3FC8]  }
0x92: {  	s4 =	sld [smem:$0x3FC7]  }
0x93: {  	s5 =	sld [smem:$0x3FC6];
	(tm) =	ssettm $0x1  }
0x94: {  	s6 =	sld [smem:$0x3FFB];
	_ =	sdelay $0x3  }
0x95: {  	_ =	strace s6  }
0x96: {  	s6 =	sld [smem:$0x3FFC];
	_ =	sdelay $0x3  }
0x97: {  	_ =	strace s6  }
0x98: {  	s6 =	sld [smem:$0x3FFD];
	_ =	sdelay $0x3  }
0x99: {  	_ =	strace s6  }
0x9a: {  	_ =	strace $0x8FFFFFFF  }
0x9b: {  	s19 =	sld [smem:$0x3FDB];
	_ =	sdelay $0x1  }
0x9c: {  	s7 =	simm.s32 $_scs_section_size  }
0x9d: {  	s8 =	simm.s32 $_size__tile_overlayer_lowered;
	s9 =	simm.s32 $_tile_overlayer_lowered  }
0x9e: {  	s22 =	simm.s32 $0x1BFF;
	s21 =	sshll.u32 s9, $0x1;
	s6 =	sadd.s32 s7, s19  }
0x9f: {  	s10 =	simm.s32 $0x0;
	s20 =	sshll.u32 s8, $0x1;
	s8 =	sadd.s32 s21, s6  }
0xa0: {  	[timem:s10], [sflag:s22] =	dma.local [hbm:s8], s20  }
0xa1: {  	_ =	swait.ge [sflag:s22], s20  }
0xa2: {  	s7 =	ssub.s32 $0x0, s20;
	[sflag:s22] =	ssyncset.done $0x0  }
0xa3: {  	[sflag:s22] =	ssyncadd.s32 s7;
	_ =	sdelay $0x1  }
0xa4: {  	s23 =	simm.s32 $0x1B8B  }
0xa5: {  	_ =	swait.ge [sflag:s23], $0x1  }
0xa6: {  	[sflag:s23] =	ssyncset.done $0x0  }
0xa7: {  	s25 =	simm.s32 $0x1B8E;
	s24 =	sld [smem:$0x3FFE];
	[sflag:s23] =	ssyncadd.s32 $0xFFFFFFFF  }
0xa8: {  	s26 =	simm.s32 $execute0_lowered;
	[smem:$0x3FD2] =	sst s25  }
0xa9: {  	s8 =	sshll.u32 s26, $0x1;
	_ =	strace $0x80000046;
	[dreg:$0x1] =	wrdreg $0xFFFFFFFF  }
0xaa: {  	s28 =	simm.s32 $_size_execute0_lowered;
	s6 =	sadd.s32 s6, s8;
	[dreg:$0x0] =	wrdreg $0x0  }
0xab: {  	s8 =	sshll.u32 s28, $0x1;
	[dreg:$0x2] =	wrdreg s6  }
0xac: {  	[dreg:$0x3] =	wrdreg s8  }
0xad: {  	[dreg:$0x4] =	wrdreg $0xC0  }
0xae: {  	_ =	task [dreg:s10], $0x5FFFF  }
0xaf: {  	[dreg:$0x1] =	wrdreg $0xFFFFFFFF  }
0xb0: {  	[dreg:$0x0] =	wrdreg $0x60  }
0xb1: {  	[dreg:$0x2] =	wrdreg s2  }
0xb2: {  	[dreg:$0x3] =	wrdreg s18  }
0xb3: {  	[dreg:$0x4] =	wrdreg s4  }
0xb4: {  	[dreg:$0x5] =	wrdreg s5  }
0xb5: {  	[dreg:$0x6] =	wrdreg s24  }
0xb6: {  	[dreg:$0x7] =	wrdreg $0x9  }
0xb7: {  	_ =	task.clear_ibuf [dreg:s10], $0x8FFFF;
	_ =	strace $0x90000046  }
0xb8: {  	s29 =	simm.s32 $0x9;
	_ =	strace $0x80000048  }
0xb9: {  	_ =	swait.ge [sflag:s29], $0x1  }
0xba: {  	[sflag:s29] =	ssyncadd.s32 $0xFFFFFFFF  }
0xbb: {  	_ =	strace $0x90000048  }
0xbc: {  	_ =	sfence  }
0xbd: {  	s30 =	sld [smem:$0x0];
	_ =	sdelay $0x2  }
0xbe: {  	s31 =	sshll.u32 s1, $0xD;
	s1 =	sshrl.u32 s1, $0x2  }
0xbf: {  	s3 =	sand.u32 $0x4000, s31;
	s1 =	sadd.s32 s1, s30  }
0xc0: {  	s0 =	sor.u32 s3, s0;
	s1 =	sshll.u32 s1, $0x11  }
0xc1: {  	s0 =	sor.u32 s1, s0  }
0xc2: {  	s0 =	sadd.s32 $0x8F2B, s0  }
0xc3: {  	[sflag:s0] =	ssyncadd.remote.s32 $0x1  }
0xc4: {  	_ =	sfence.sel $0xFFFF  }
0xc5: {  	[dreg:$0x0] =	wrdreg $0xFFFFFFFF;
	(pc) =	sbr.abs _section_cstart, $3  }
0xc6: {  	[dreg:$0x1] =	wrdreg $0xFFFFFFFF  }
0xc7: {  	_ =	task.clear_ibuf [dreg:s10], $0x2FFFF;
	_ =	strace $0x9FFFFFFF  }
0xc8: {  	(tm) =	ssettm $0x7FFFFFFF  }
0xc9: {  	_ =	shalt  }
tec
execute0_lowered:
.L_overlay_start_1:
0x0: {  	(tag) =	ssettag $0x1  }
0x1: {  	s0 =	rddreg [dreg:$0x0]  }
0x2: {  	s3 =	rddreg [dreg:$0x1]  }
0x3: {  	s1 =	rddreg [dreg:$0x2]  }
0x4: {  	s2 =	rddreg [dreg:$0x3]  }
0x5: {  	s5 =	rddreg [dreg:$0x4];
	s6 =	srdreg.scid  }
0x6: {  	s4 =	simm.s32 $0x0;
	s7 =	stileid.u32;
	s11 =	simm.s32 $0x80  }
0x7: {  	s12 =	simm.s32 $0x400;
	s13 =	simm.s32 $0x7A1400;
	s14 =	simm.s32 $0x100  }
0x8: {  	s15 =	simm.s32 $0x8100;
	s16 =	simm.s32 $0x2100;
	s17 =	simm.s32 $0xA100  }
0x9: {  	s18 =	simm.s32 $0x4100;
	s19 =	simm.s32 $0xC100;
	s20 =	simm.s32 $0x6100  }
0xa: {  	s21 =	simm.s32 $0xE100;
	s22 =	simm.s32 $0x1;
	s28 =	simm.s32 $0x6  }
0xb: {  	s29 =	simm.s32 $0x3;
	s30 =	simm.s32 $0x7;
	s6 =	sand.u32 $0x1, s6  }
0xc: {  	s31 =	simm.s32 $0x4;
	s7 =	sshll.u32 s7, $0x8;
	s8 =	sshll.u32 s6, $0x7  }
0xd: {  	[smem:$0x7FF] =	sst s4;
	s6 =	ssub.s32 $0x2, s6;
	s7 =	sor.u32 s8, s7  }
0xe: {  	_ =	strace $0x80000047;
	s9 =	sshrl.u32 s6, $0x1;
	s8 =	sshll.u32 s7, $0x4  }
0xf: {  	s7 =	sshrl.u32 s7, $0x3;
	s6 =	ssub.s32 s6, s9;
	s5 =	sadd.s32 s8, s5  }
0x10: {  	s0 =	sadd.s32 s0, s7;
	s23 =	sadd.s32 s3, s7;
	s26 =	smax.u32 s6, $0x1  }
.Ltmp0:
0x11: {  	s6 =	simm.s32 $0x0;
	[dreg:$0x6] =	wrdreg s0;
	(pc) =	sbr.rel .LBB2_1-.Ltmp0, $4  }
0x12: {  	v0 =	vlaneseq.u32;
	v2 =	vimm.s32 $0x1;
	[dreg:$0x7] =	wrdreg s23;
	s24 =	sadd.s32 $0x10C00, s5;
	s25 =	sadd.s32 $0xC00, s5  }
0x13: {  	v3 =	vimm.s32 $0x2;
	v4 =	vimm.s32 $0x3;
	v1 =	vmul.u32 $0x80, v0;
	[dreg:$0xa] =	wrdreg s26;
	s5 =	simm.s32 $0x9;
	s23 =	simm.s32 $0x10100  }
0x14: {  	v6 =	vor.u32 $0x10, v0;
	v8 =	vor.u32 $0x20, v0;
	v10 =	vor.u32 $0x30, v0;
	s26 =	simm.s32 $0x2;
	s0 =	simm.s32 $0x8;
	[dreg:$0x8] =	wrdreg s24  }
0x15: {  	v5 =	vor.u32 $0x800, v1;
	v7 =	vor.u32 $0x1000, v1;
	v9 =	vor.u32 $0x1800, v1;
	[dreg:$0x9] =	wrdreg s25;
	s24 =	simm.s32 $0x5;
	s25 =	simm.s32 $0x14100  }
.LBB2_4:
0x16: {  	s3 =	rddreg [dreg:$0x8];
	s5 =	simm.s32 $0x9  }
0x17: {  	[hbm4b:s3+s4] =	stream.linear.scatter [tilespmem:s23], [sflag:$0x9], $0x4000, $0x38;
	[tilespmem:$0x18100] =	vst v63  }
0x18: {  	_ =	swait.ge [sflag:s5], $0x4000  }
0x19: {  	[sflag:s5] =	ssyncset.done $0x0  }
0x1a: {  	s9 =	rddreg [dreg:$0x9];
	[sflag:s5] =	ssyncadd.s32 $0xFFFFC000  }
0x1b: {  	[hbm4b:s9+s4] =	stream.linear.scatter [tilespmem:s25], [sflag:$0x9], $0x4000, $0x38;
	[tilespmem:$0x18100] =	vst v63  }
0x1c: {  	_ =	swait.ge [sflag:s5], $0x4000  }
0x1d: {  	s6 =	rddreg [dreg:$0xb]  }
0x1e: {  	s10 =	rddreg [dreg:$0xa];
	s6 =	sadd.s32 $0x1, s6  }
0x1f: {  	p0 =	sne.s32 s6, s10  }
.Ltmp1:
0x20: {  	_ = 	snop;
	(pc) =	sbr.rel @!p0 .LBB2_5-.Ltmp1, $3  }
0x21: {  	_ =	sdelay $0x1  }
0x22: {  	[sflag:s5] =	ssyncset.done $0x0  }
0x23: {  	[sflag:s5] =	ssyncadd.s32 $0xFFFFC000  }
.LBB2_1:
0x24: {  	[dreg:$0xb] =	wrdreg s6  }
0x25: {  	s3 =	rddreg [dreg:$0x6]  }
0x26: {  	[tilespmem:s4], [sflag:$0x9] =	stream.linear.gather [hbm4b:s3+s4], $0x80, $0x38;
	[tilespmem:$0x18100] =	vst v63  }
0x27: {  	_ =	swait.ge [sflag:s5], $0x80  }
0x28: {  	[sflag:s5] =	ssyncset.done $0x0  }
0x29: {  	s8 =	rddreg [dreg:$0x7];
	[sflag:s5] =	ssyncadd.s32 $0xFFFFFF80  }
0x2a: {  	[tilespmem:s11], [sflag:$0x9] =	stream.linear.gather [hbm4b:s8+s4], $0x80, $0x38;
	[tilespmem:$0x18100] =	vst v63  }
0x2b: {  	_ =	swait.ge [sflag:s5], $0x80  }
0x2c: {  	[sflag:s5] =	ssyncset.done $0x0  }
0x2d: {  	[sflag:s5] =	ssyncadd.s32 $0xFFFFFF80  }
0x2e: {  	v11 =	vld.msk [tilespmem:s4+$0x0], $0xffff;
	_ =	sdelay $0x4  }
0x2f: {  	(v2sf) =	vpush v11, $0x0;
	_ =	sdelay $0xe  }
0x30: {  	s9 =	spop (v2sf)  }
0x31: {  	s5 =	sand.u32 $0xFFFFF80, s9  }
0x32: {  	s5 =	sadd.s32 s1, s5  }
0x33: {  	[tilespmem:s14], [sflag:$0x1] =	stream.strided.gather [hbm4b:s5+s12], $0x2000, s13, s12, $0x38;
	[tilespmem:$0x18100] =	vst v63  }
0x34: {  	v11 =	vld.msk [tilespmem:s11+$0x0], $0xffff;
	_ =	sdelay $0x4  }
0x35: {  	(v2sf) =	vpush v11, $0x0;
	_ =	sdelay $0xe  }
0x36: {  	s10 =	spop (v2sf)  }
0x37: {  	s5 =	sand.u32 $0xFFFFF80, s10  }
0x38: {  	s5 =	sadd.s32 s2, s5  }
0x39: {  	[tilespmem:s15], [sflag:$0x5] =	stream.strided.gather [hbm4b:s5+s12], $0x2000, s13, s12, $0x38;
	[tilespmem:$0x18100] =	vst v63  }
0x3a: {  	v11 =	vld.idx.msk [tilespmem:v2+s4+$0x0], $0xffff;
	_ =	sdelay $0x4  }
0x3b: {  	(v2sf) =	vpush v11, $0x0;
	_ =	sdelay $0xe  }
0x3c: {  	s3 =	spop (v2sf)  }
0x3d: {  	s5 =	sand.u32 $0xFFFFF80, s3  }
0x3e: {  	s5 =	sadd.s32 s1, s5  }
0x3f: {  	[tilespmem:s16], [sflag:$0x2] =	stream.strided.gather [hbm4b:s5+s12], $0x2000, s13, s12, $0x38;
	[tilespmem:$0x18100] =	vst v63  }
0x40: {  	v11 =	vld.idx.msk [tilespmem:v2+s11+$0x0], $0xffff;
	_ =	sdelay $0x4  }
0x41: {  	(v2sf) =	vpush v11, $0x0;
	_ =	sdelay $0xe  }
0x42: {  	s6 =	spop (v2sf)  }
0x43: {  	s5 =	sand.u32 $0xFFFFF80, s6  }
0x44: {  	s5 =	sadd.s32 s2, s5  }
0x45: {  	[tilespmem:s17], [sflag:$0x6] =	stream.strided.gather [hbm4b:s5+s12], $0x2000, s13, s12, $0x38;
	[tilespmem:$0x18100] =	vst v63  }
0x46: {  	v11 =	vld.idx.msk [tilespmem:v3+s4+$0x0], $0xffff;
	_ =	sdelay $0x4  }
0x47: {  	(v2sf) =	vpush v11, $0x0;
	_ =	sdelay $0xe  }
0x48: {  	s7 =	spop (v2sf)  }
0x49: {  	s5 =	sand.u32 $0xFFFFF80, s7  }
0x4a: {  	s5 =	sadd.s32 s1, s5  }
0x4b: {  	[tilespmem:s18], [sflag:$0x3] =	stream.strided.gather [hbm4b:s5+s12], $0x2000, s13, s12, $0x38;
	[tilespmem:$0x18100] =	vst v63  }
0x4c: {  	v11 =	vld.idx.msk [tilespmem:v3+s11+$0x0], $0xffff;
	_ =	sdelay $0x4  }
0x4d: {  	(v2sf) =	vpush v11, $0x0;
	_ =	sdelay $0xe  }
0x4e: {  	s8 =	spop (v2sf)  }
0x4f: {  	s5 =	sand.u32 $0xFFFFF80, s8  }
0x50: {  	s5 =	sadd.s32 s2, s5  }
0x51: {  	[tilespmem:s19], [sflag:$0x7] =	stream.strided.gather [hbm4b:s5+s12], $0x2000, s13, s12, $0x38;
	[tilespmem:$0x18100] =	vst v63  }
0x52: {  	v11 =	vld.idx.msk [tilespmem:v4+s4+$0x0], $0xffff;
	_ =	sdelay $0x4  }
0x53: {  	(v2sf) =	vpush v11, $0x0;
	_ =	sdelay $0xe  }
0x54: {  	s9 =	spop (v2sf)  }
0x55: {  	s5 =	sand.u32 $0xFFFFF80, s9  }
0x56: {  	s5 =	sadd.s32 s1, s5  }
0x57: {  	[tilespmem:s20], [sflag:$0x4] =	stream.strided.gather [hbm4b:s5+s12], $0x2000, s13, s12, $0x38;
	[tilespmem:$0x18100] =	vst v63  }
0x58: {  	v11 =	vld.idx.msk [tilespmem:v4+s11+$0x0], $0xffff;
	_ =	sdelay $0x4  }
0x59: {  	(v2sf) =	vpush v11, $0x0;
	_ =	sdelay $0xe  }
0x5a: {  	s10 =	spop (v2sf)  }
0x5b: {  	s5 =	sand.u32 $0xFFFFF80, s10  }
0x5c: {  	s5 =	sadd.s32 s2, s5  }
0x5d: {  	[tilespmem:s21], [sflag:$0x8] =	stream.strided.gather [hbm4b:s5+s12], $0x2000, s13, s12, $0x38;
	[tilespmem:$0x18100] =	vst v63  }
0x5e: {  	s5 =	simm.s32 $0x0  }
.LBB2_2:
0x5f: {  	v11 =	vmov s5;
	_ =	sdelay $0x1  }
0x60: {  	_ =	swait.ge [sflag:s22], $0x2000  }
0x61: {  	[sflag:s22] =	ssyncset.done $0x0  }
0x62: {  	[sflag:s22] =	ssyncadd.s32 $0xFFFFE000  }
0x63: {  	v12 =	vld.idx.msk [tilespmem:v11+s4+$0x0], $0xffff;
	_ =	sdelay $0x4  }
0x64: {  	(v2sf) =	vpush v12, $0x0;
	_ =	sdelay $0xe  }
0x65: {  	s6 =	spop (v2sf)  }
0x66: {  	s6 =	sand.u32 $0x7F, s6  }
0x67: {  	v22 =	vor.u32 s6, v1;
	_ =	sdelay $0x3  }
0x68: {  	v13 =	vshll.u32 v11, $0x7  }
0x69: {  	v14 =	vor.u32 v0, v13;
	v12 =	vld.idx.msk [tilespmem:v22+s14+$0x0], $0xffff  }
0x6a: {  	v15 =	vor.u32 s6, v5;
	_ =	sdelay $0x3  }
0x6b: {  	[tilespmem:v14+s23+$0x0] =	vst.idx.msk $0xffff, v12  }
0x6c: {  	v23 =	vor.u32 v6, v13;
	v12 =	vld.idx.msk [tilespmem:v15+s14+$0x0], $0xffff  }
0x6d: {  	v16 =	vor.u32 s6, v7;
	_ =	sdelay $0x3  }
0x6e: {  	[tilespmem:v23+s23+$0x0] =	vst.idx.msk $0xffff, v12  }
0x6f: {  	v24 =	vor.u32 v8, v13;
	v12 =	vld.idx.msk [tilespmem:v16+s14+$0x0], $0xffff  }
0x70: {  	v17 =	vor.u32 s6, v9  }
0x71: {  	p0 =	seq.s32 s5, $0x7C  }
0x72: {  	s6 =	sadd.s32 @!p0 $0x4, s5  }
0x73: {  	v18 =	vmov @!p0 s6  }
0x74: {  	[tilespmem:v24+s23+$0x0] =	vst.idx.msk $0xffff, v12;
	v12 =	vand.u32 @!p0 $0xFFFFFFFC, v18  }
0x75: {  	v13 =	vor.u32 v10, v13;
	v17 =	vld.idx.msk [tilespmem:v17+s14+$0x0], $0xffff;
	v12 =	vbroadcast @!p0 v12, $0x0;
	_ =	sdelay $0x4  }
0x76: {  	s6 =	simm.s32 @!p0 $0x0;
	[tilespmem:v13+s23+$0x0] =	vst.idx.msk $0xffff, v17  }
0x77: {  	v17 =	vld.idx.msk @!p0 [tilespmem:v12+s6+$0x0], $0xffff;
	_ =	sdelay $0x4  }
0x78: {  	(v2sf) =	vpush @!p0 v17, $0x0;
	_ =	sdelay $0xe  }
0x79: {  	s7 =	spop @!p0 (v2sf)  }
0x7a: {  	s8 =	simm.s32 @!p0 $0x7A1400;
	s7 =	sand.u32 @!p0 $0xFFFFF80, s7  }
0x7b: {  	s10 =	simm.s32 @!p0 $0x100;
	s9 =	sadd.s32 @!p0 s1, s7;
	s7 =	simm.s32 @!p0 $0x400  }
0x7c: {  	[tilespmem:s10], [sflag:$0x1] =	stream.strided.gather @!p0 [hbm4b:s9+s7], $0x2000, s8, s7, $0x38;
	[tilespmem:$0x18100] =	vst v63  }
0x7d: {  	_ =	swait.ge [sflag:s24], $0x2000  }
0x7e: {  	[sflag:s24] =	ssyncset.done $0x0  }
0x7f: {  	[sflag:s24] =	ssyncadd.s32 $0xFFFFE000  }
0x80: {  	v11 =	vld.idx.msk [tilespmem:v11+s11+$0x0], $0xffff;
	_ =	sdelay $0x4  }
0x81: {  	(v2sf) =	vpush v11, $0x0;
	_ =	sdelay $0xe  }
0x82: {  	s3 =	spop (v2sf)  }
0x83: {  	s9 =	sand.u32 $0x7F, s3  }
0x84: {  	v11 =	vor.u32 s9, v1;
	_ =	sdelay $0x4  }
0x85: {  	v11 =	vld.idx.msk [tilespmem:v11+s15+$0x0], $0xffff  }
0x86: {  	v25 =	vor.u32 s9, v5;
	_ =	sdelay $0x3  }
0x87: {  	[tilespmem:v14+s25+$0x0] =	vst.idx.msk $0xffff, v11  }
0x88: {  	v11 =	vld.idx.msk [tilespmem:v25+s15+$0x0], $0xffff  }
0x89: {  	v26 =	vor.u32 s9, v7;
	_ =	sdelay $0x3  }
0x8a: {  	[tilespmem:v23+s25+$0x0] =	vst.idx.msk $0xffff, v11  }
0x8b: {  	v11 =	vld.idx.msk [tilespmem:v26+s15+$0x0], $0xffff  }
0x8c: {  	v27 =	vor.u32 s9, v9;
	_ =	sdelay $0x3  }
0x8d: {  	[tilespmem:v24+s25+$0x0] =	vst.idx.msk $0xffff, v11  }
0x8e: {  	v11 =	vld.idx.msk [tilespmem:v27+s15+$0x0], $0xffff;
	_ =	sdelay $0x4  }
0x8f: {  	s9 =	simm.s32 @!p0 $0x80;
	[tilespmem:v13+s25+$0x0] =	vst.idx.msk $0xffff, v11  }
0x90: {  	v11 =	vld.idx.msk @!p0 [tilespmem:v12+s9+$0x0], $0xffff;
	_ =	sdelay $0x4  }
0x91: {  	(v2sf) =	vpush @!p0 v11, $0x0;
	_ =	sdelay $0xe  }
0x92: {  	s10 =	spop @!p0 (v2sf)  }
0x93: {  	s3 =	sadd.s32 $0x1, s5;
	s10 =	sand.u32 @!p0 $0xFFFFF80, s10  }
0x94: {  	v11 =	vmov s3;
	s3 =	simm.s32 @!p0 $0x8100;
	s10 =	sadd.s32 @!p0 s2, s10  }
0x95: {  	[tilespmem:s3], [sflag:$0x5] =	stream.strided.gather @!p0 [hbm4b:s10+s7], $0x2000, s8, s7, $0x38;
	[tilespmem:$0x18100] =	vst v63  }
0x96: {  	_ =	swait.ge [sflag:s26], $0x2000  }
0x97: {  	[sflag:s26] =	ssyncset.done $0x0  }
0x98: {  	[sflag:s26] =	ssyncadd.s32 $0xFFFFE000  }
0x99: {  	v28 =	vld.idx.msk [tilespmem:v11+s4+$0x0], $0xffff;
	_ =	sdelay $0x4  }
0x9a: {  	(v2sf) =	vpush v28, $0x0;
	_ =	sdelay $0xe  }
0x9b: {  	s10 =	spop (v2sf)  }
0x9c: {  	s3 =	sand.u32 $0x7F, s10  }
0x9d: {  	v29 =	vor.u32 s3, v1;
	_ =	sdelay $0x3  }
0x9e: {  	v30 =	vshll.u32 v11, $0x7  }
0x9f: {  	v31 =	vor.u32 v0, v30;
	v12 =	vld.idx.msk [tilespmem:v29+s16+$0x0], $0xffff  }
0xa0: {  	v32 =	vor.u32 s3, v5;
	_ =	sdelay $0x3  }
0xa1: {  	[tilespmem:v31+s23+$0x0] =	vst.idx.msk $0xffff, v12  }
0xa2: {  	v33 =	vor.u32 v6, v30;
	v12 =	vld.idx.msk [tilespmem:v32+s16+$0x0], $0xffff  }
0xa3: {  	v34 =	vor.u32 s3, v7;
	_ =	sdelay $0x3  }
0xa4: {  	[tilespmem:v33+s23+$0x0] =	vst.idx.msk $0xffff, v12  }
0xa5: {  	v35 =	vor.u32 v8, v30;
	v12 =	vld.idx.msk [tilespmem:v34+s16+$0x0], $0xffff  }
0xa6: {  	v36 =	vor.u32 s3, v9;
	_ =	sdelay $0x1  }
0xa7: {  	s3 =	sadd.s32 @!p0 $0x5, s5  }
0xa8: {  	v18 =	vmov @!p0 s3  }
0xa9: {  	[tilespmem:v35+s23+$0x0] =	vst.idx.msk $0xffff, v12;
	v12 =	vand.u32 @!p0 $0xFFFFFFFD, v18  }
0xaa: {  	v13 =	vor.u32 v10, v30;
	v17 =	vld.idx.msk [tilespmem:v36+s16+$0x0], $0xffff;
	v12 =	vbroadcast @!p0 v12, $0x0;
	_ =	sdelay $0x4  }
0xab: {  	[tilespmem:v13+s23+$0x0] =	vst.idx.msk $0xffff, v17  }
0xac: {  	v17 =	vld.idx.msk @!p0 [tilespmem:v12+s6+$0x0], $0xffff;
	_ =	sdelay $0x4  }
0xad: {  	(v2sf) =	vpush @!p0 v17, $0x0;
	_ =	sdelay $0xe  }
0xae: {  	s3 =	spop @!p0 (v2sf)  }
0xaf: {  	s3 =	sand.u32 @!p0 $0xFFFFF80, s3  }
0xb0: {  	s10 =	simm.s32 @!p0 $0x2100;
	s3 =	sadd.s32 @!p0 s1, s3  }
0xb1: {  	[tilespmem:s10], [sflag:$0x2] =	stream.strided.gather @!p0 [hbm4b:s3+s7], $0x2000, s8, s7, $0x38;
	[tilespmem:$0x18100] =	vst v63  }
0xb2: {  	_ =	swait.ge [sflag:s28], $0x2000  }
0xb3: {  	[sflag:s28] =	ssyncset.done $0x0  }
0xb4: {  	[sflag:s28] =	ssyncadd.s32 $0xFFFFE000  }
0xb5: {  	v11 =	vld.idx.msk [tilespmem:v11+s11+$0x0], $0xffff;
	_ =	sdelay $0x4  }
0xb6: {  	(v2sf) =	vpush v11, $0x0;
	_ =	sdelay $0xe  }
0xb7: {  	s10 =	spop (v2sf)  }
0xb8: {  	s3 =	sand.u32 $0x7F, s10  }
0xb9: {  	v11 =	vor.u32 s3, v1;
	_ =	sdelay $0x4  }
0xba: {  	v11 =	vld.idx.msk [tilespmem:v11+s17+$0x0], $0xffff  }
0xbb: {  	v37 =	vor.u32 s3, v5;
	_ =	sdelay $0x3  }
0xbc: {  	[tilespmem:v31+s25+$0x0] =	vst.idx.msk $0xffff, v11  }
0xbd: {  	v11 =	vld.idx.msk [tilespmem:v37+s17+$0x0], $0xffff  }
0xbe: {  	v38 =	vor.u32 s3, v7;
	_ =	sdelay $0x3  }
0xbf: {  	[tilespmem:v33+s25+$0x0] =	vst.idx.msk $0xffff, v11  }
0xc0: {  	v11 =	vld.idx.msk [tilespmem:v38+s17+$0x0], $0xffff  }
0xc1: {  	v39 =	vor.u32 s3, v9;
	_ =	sdelay $0x3  }
0xc2: {  	[tilespmem:v35+s25+$0x0] =	vst.idx.msk $0xffff, v11  }
0xc3: {  	v11 =	vld.idx.msk [tilespmem:v39+s17+$0x0], $0xffff;
	_ =	sdelay $0x4  }
0xc4: {  	[tilespmem:v13+s25+$0x0] =	vst.idx.msk $0xffff, v11  }
0xc5: {  	v11 =	vld.idx.msk @!p0 [tilespmem:v12+s9+$0x0], $0xffff;
	_ =	sdelay $0x4  }
0xc6: {  	(v2sf) =	vpush @!p0 v11, $0x0;
	_ =	sdelay $0xe  }
0xc7: {  	s3 =	spop @!p0 (v2sf)  }
0xc8: {  	s10 =	sadd.s32 $0x2, s5;
	s3 =	sand.u32 @!p0 $0xFFFFF80, s3  }
0xc9: {  	v11 =	vmov s10;
	s10 =	simm.s32 @!p0 $0xA100;
	s3 =	sadd.s32 @!p0 s2, s3  }
0xca: {  	[tilespmem:s10], [sflag:$0x6] =	stream.strided.gather @!p0 [hbm4b:s3+s7], $0x2000, s8, s7, $0x38;
	[tilespmem:$0x18100] =	vst v63  }
0xcb: {  	_ =	swait.ge [sflag:s29], $0x2000  }
0xcc: {  	[sflag:s29] =	ssyncset.done $0x0  }
0xcd: {  	[sflag:s29] =	ssyncadd.s32 $0xFFFFE000  }
0xce: {  	v40 =	vld.idx.msk [tilespmem:v11+s4+$0x0], $0xffff;
	_ =	sdelay $0x4  }
0xcf: {  	(v2sf) =	vpush v40, $0x0;
	_ =	sdelay $0xe  }
0xd0: {  	s10 =	spop (v2sf)  }
0xd1: {  	s3 =	sand.u32 $0x7F, s10  }
0xd2: {  	v41 =	vor.u32 s3, v1;
	_ =	sdelay $0x3  }
0xd3: {  	v42 =	vshll.u32 v11, $0x7  }
0xd4: {  	v43 =	vor.u32 v0, v42;
	v12 =	vld.idx.msk [tilespmem:v41+s18+$0x0], $0xffff  }
0xd5: {  	v44 =	vor.u32 s3, v5;
	_ =	sdelay $0x3  }
0xd6: {  	[tilespmem:v43+s23+$0x0] =	vst.idx.msk $0xffff, v12  }
0xd7: {  	v45 =	vor.u32 v6, v42;
	v12 =	vld.idx.msk [tilespmem:v44+s18+$0x0], $0xffff  }
0xd8: {  	v46 =	vor.u32 s3, v7;
	_ =	sdelay $0x3  }
0xd9: {  	[tilespmem:v45+s23+$0x0] =	vst.idx.msk $0xffff, v12  }
0xda: {  	v47 =	vor.u32 v8, v42;
	v12 =	vld.idx.msk [tilespmem:v46+s18+$0x0], $0xffff  }
0xdb: {  	v48 =	vor.u32 s3, v9;
	_ =	sdelay $0x1  }
0xdc: {  	s3 =	sadd.s32 @!p0 $0x6, s5  }
0xdd: {  	v18 =	vmov @!p0 s3  }
0xde: {  	[tilespmem:v47+s23+$0x0] =	vst.idx.msk $0xffff, v12;
	v12 =	vand.u32 @!p0 $0xFFFFFFFE, v18  }
0xdf: {  	v13 =	vor.u32 v10, v42;
	v17 =	vld.idx.msk [tilespmem:v48+s18+$0x0], $0xffff;
	v12 =	vbroadcast @!p0 v12, $0x0;
	_ =	sdelay $0x4  }
0xe0: {  	[tilespmem:v13+s23+$0x0] =	vst.idx.msk $0xffff, v17  }
0xe1: {  	v17 =	vld.idx.msk @!p0 [tilespmem:v12+s6+$0x0], $0xffff;
	_ =	sdelay $0x4  }
0xe2: {  	(v2sf) =	vpush @!p0 v17, $0x0;
	_ =	sdelay $0xe  }
0xe3: {  	s3 =	spop @!p0 (v2sf)  }
0xe4: {  	s3 =	sand.u32 @!p0 $0xFFFFF80, s3  }
0xe5: {  	s10 =	simm.s32 @!p0 $0x4100;
	s3 =	sadd.s32 @!p0 s1, s3  }
0xe6: {  	[tilespmem:s10], [sflag:$0x3] =	stream.strided.gather @!p0 [hbm4b:s3+s7], $0x2000, s8, s7, $0x38;
	[tilespmem:$0x18100] =	vst v63  }
0xe7: {  	_ =	swait.ge [sflag:s30], $0x2000  }
0xe8: {  	[sflag:s30] =	ssyncset.done $0x0  }
0xe9: {  	[sflag:s30] =	ssyncadd.s32 $0xFFFFE000  }
0xea: {  	v11 =	vld.idx.msk [tilespmem:v11+s11+$0x0], $0xffff;
	_ =	sdelay $0x4  }
0xeb: {  	(v2sf) =	vpush v11, $0x0;
	_ =	sdelay $0xe  }
0xec: {  	s10 =	spop (v2sf)  }
0xed: {  	s3 =	sand.u32 $0x7F, s10  }
0xee: {  	v11 =	vor.u32 s3, v1;
	_ =	sdelay $0x4  }
0xef: {  	v11 =	vld.idx.msk [tilespmem:v11+s19+$0x0], $0xffff  }
0xf0: {  	v49 =	vor.u32 s3, v5;
	_ =	sdelay $0x3  }
0xf1: {  	[tilespmem:v43+s25+$0x0] =	vst.idx.msk $0xffff, v11  }
0xf2: {  	v11 =	vld.idx.msk [tilespmem:v49+s19+$0x0], $0xffff  }
0xf3: {  	v50 =	vor.u32 s3, v7;
	_ =	sdelay $0x3  }
0xf4: {  	[tilespmem:v45+s25+$0x0] =	vst.idx.msk $0xffff, v11  }
0xf5: {  	v11 =	vld.idx.msk [tilespmem:v50+s19+$0x0], $0xffff  }
0xf6: {  	v51 =	vor.u32 s3, v9;
	_ =	sdelay $0x3  }
0xf7: {  	[tilespmem:v47+s25+$0x0] =	vst.idx.msk $0xffff, v11  }
0xf8: {  	v11 =	vld.idx.msk [tilespmem:v51+s19+$0x0], $0xffff;
	_ =	sdelay $0x4  }
0xf9: {  	[tilespmem:v13+s25+$0x0] =	vst.idx.msk $0xffff, v11  }
0xfa: {  	v11 =	vld.idx.msk @!p0 [tilespmem:v12+s9+$0x0], $0xffff;
	_ =	sdelay $0x4  }
0xfb: {  	(v2sf) =	vpush @!p0 v11, $0x0;
	_ =	sdelay $0xe  }
0xfc: {  	s3 =	spop @!p0 (v2sf)  }
0xfd: {  	s10 =	sadd.s32 $0x3, s5;
	s3 =	sand.u32 @!p0 $0xFFFFF80, s3  }
0xfe: {  	s9 =	simm.s32 @!p0 $0xC100;
	v11 =	vmov s10;
	s3 =	sadd.s32 @!p0 s2, s3  }
0xff: {  	[tilespmem:s9], [sflag:$0x7] =	stream.strided.gather @!p0 [hbm4b:s3+s7], $0x2000, s8, s7, $0x38;
	[tilespmem:$0x18100] =	vst v63  }
0x100: {  	_ =	swait.ge [sflag:s31], $0x2000  }
0x101: {  	[sflag:s31] =	ssyncset.done $0x0  }
0x102: {  	[sflag:s31] =	ssyncadd.s32 $0xFFFFE000  }
0x103: {  	v52 =	vld.idx.msk [tilespmem:v11+s4+$0x0], $0xffff;
	_ =	sdelay $0x4  }
0x104: {  	(v2sf) =	vpush v52, $0x0;
	_ =	sdelay $0xe  }
0x105: {  	s9 =	spop (v2sf)  }
0x106: {  	s3 =	sand.u32 $0x7F, s9  }
0x107: {  	v53 =	vor.u32 s3, v1;
	_ =	sdelay $0x3  }
0x108: {  	v54 =	vshll.u32 v11, $0x7  }
0x109: {  	v55 =	vor.u32 v0, v54;
	v12 =	vld.idx.msk [tilespmem:v53+s20+$0x0], $0xffff  }
0x10a: {  	v56 =	vor.u32 s3, v5;
	_ =	sdelay $0x3  }
0x10b: {  	[tilespmem:v55+s23+$0x0] =	vst.idx.msk $0xffff, v12  }
0x10c: {  	v57 =	vor.u32 v6, v54;
	v12 =	vld.idx.msk [tilespmem:v56+s20+$0x0], $0xffff  }
0x10d: {  	v58 =	vor.u32 s3, v7;
	_ =	sdelay $0x3  }
0x10e: {  	[tilespmem:v57+s23+$0x0] =	vst.idx.msk $0xffff, v12  }
0x10f: {  	v59 =	vor.u32 v8, v54;
	v12 =	vld.idx.msk [tilespmem:v58+s20+$0x0], $0xffff  }
0x110: {  	v60 =	vor.u32 s3, v9;
	_ =	sdelay $0x3  }
0x111: {  	[tilespmem:v59+s23+$0x0] =	vst.idx.msk $0xffff, v12  }
0x112: {  	v13 =	vor.u32 v10, v54;
	s3 =	sadd.s32 @!p0 $0x7, s5;
	v12 =	vld.idx.msk [tilespmem:v60+s20+$0x0], $0xffff  }
0x113: {  	v17 =	vmov @!p0 s3;
	_ =	sdelay $0x3  }
0x114: {  	[tilespmem:v13+s23+$0x0] =	vst.idx.msk $0xffff, v12  }
0x115: {  	v12 =	vld.idx.msk @!p0 [tilespmem:v17+s6+$0x0], $0xffff;
	_ =	sdelay $0x4  }
0x116: {  	(v2sf) =	vpush @!p0 v12, $0x0;
	_ =	sdelay $0xe  }
0x117: {  	s3 =	spop @!p0 (v2sf)  }
0x118: {  	s3 =	sand.u32 @!p0 $0xFFFFF80, s3  }
0x119: {  	s6 =	simm.s32 @!p0 $0x6100;
	s3 =	sadd.s32 @!p0 s1, s3  }
0x11a: {  	[tilespmem:s6], [sflag:$0x4] =	stream.strided.gather @!p0 [hbm4b:s3+s7], $0x2000, s8, s7, $0x38;
	[tilespmem:$0x18100] =	vst v63  }
0x11b: {  	_ =	swait.ge [sflag:s0], $0x2000  }
0x11c: {  	[sflag:s0] =	ssyncset.done $0x0  }
0x11d: {  	[sflag:s0] =	ssyncadd.s32 $0xFFFFE000  }
0x11e: {  	v11 =	vld.idx.msk [tilespmem:v11+s11+$0x0], $0xffff;
	_ =	sdelay $0x4  }
0x11f: {  	(v2sf) =	vpush v11, $0x0;
	_ =	sdelay $0xe  }
0x120: {  	s10 =	spop (v2sf)  }
0x121: {  	s3 =	sand.u32 $0x7F, s10  }
0x122: {  	v11 =	vor.u32 s3, v1;
	_ =	sdelay $0x4  }
0x123: {  	v11 =	vld.idx.msk [tilespmem:v11+s21+$0x0], $0xffff  }
0x124: {  	v61 =	vor.u32 s3, v5;
	_ =	sdelay $0x3  }
0x125: {  	[tilespmem:v55+s25+$0x0] =	vst.idx.msk $0xffff, v11  }
0x126: {  	v11 =	vld.idx.msk [tilespmem:v61+s21+$0x0], $0xffff  }
0x127: {  	v62 =	vor.u32 s3, v7;
	_ =	sdelay $0x3  }
0x128: {  	[tilespmem:v57+s25+$0x0] =	vst.idx.msk $0xffff, v11  }
0x129: {  	v11 =	vld.idx.msk [tilespmem:v62+s21+$0x0], $0xffff  }
0x12a: {  	v63 =	vor.u32 s3, v9;
	_ =	sdelay $0x3  }
0x12b: {  	[tilespmem:v59+s25+$0x0] =	vst.idx.msk $0xffff, v11  }
0x12c: {  	v11 =	vld.idx.msk [tilespmem:v63+s21+$0x0], $0xffff  }
.Ltmp2:
0x12d: {  	_ = 	snop;
	(pc) =	sbr.rel @p0 .LBB2_4-.Ltmp2, $2  }
0x12e: {  	_ =	sdelay $0x2  }
0x12f: {  	[tilespmem:v13+s25+$0x0] =	vst.idx.msk $0xffff, v11  }
0x130: {  	s3 =	sadd.s32 $0x7, s5  }
0x131: {  	v11 =	vmov s3;
	_ =	sdelay $0x4  }
0x132: {  	v11 =	vld.idx.msk [tilespmem:v11+s11+$0x0], $0xffff;
	_ =	sdelay $0x4  }
0x133: {  	(v2sf) =	vpush v11, $0x0;
	_ =	sdelay $0xd  }
.Ltmp3:
0x134: {  	_ = 	snop;
	(pc) =	sbr.rel .LBB2_2-.Ltmp3, $4  }
0x135: {  	s10 =	spop (v2sf)  }
0x136: {  	s3 =	sand.u32 $0xFFFFF80, s10  }
0x137: {  	s5 =	sadd.s32 $0x4, s5;
	s3 =	sadd.s32 s2, s3  }
0x138: {  	[tilespmem:s21], [sflag:$0x8] =	stream.strided.gather [hbm4b:s3+s12], $0x2000, s13, s12, $0x38;
	[tilespmem:$0x18100] =	vst v63  }
.LBB2_5:
0x139: {  	_ =	sfence.sel $0x180000  }
0x13a: {  	[bflag:$0x0] =	sbarrier.arrive $0xFFFF  }
0x13b: {  	_ =	strace $0x90000047  }
0x13c: {  	s0 =	stileid.u32;
	[bflag:$0x2] =	sbarrier.arrive $0xFFFF  }
0x13d: {  	p0 =	sne.s32 s0, $0x0;
	s0 =	rddreg [dreg:$0x5]  }
0x13e: {  	s0 =	sadd.s32 @!p0 $0x100000, s0  }
0x13f: {  	[sflag:s0] =	ssyncadd.tile.s32 @!p0 $0x1;
	_ =	shalt  }
.Lfunc_end2:
_tile_overlayer_lowered:
.L_overlay_start_2:
0x140: {  	(tag) =	ssettag $0x2  }
0x141: {  	s0 =	rddreg [dreg:$0x0];
	s2 =	stileid.u32  }
0x142: {  	s1 =	rddreg [dreg:$0x1];
	p0 =	sne.s32 s2, $0x0  }
0x143: {  	s3 =	rddreg [dreg:$0x2];
	[bflag:$0x3] =	sbarrier.arrive $0xFFFF;
	s2 =	simm.s32 @!p0 $0x1C09  }
0x144: {  	[timem:s3], [sflag:s2] =	dma.local @!p0 [hbm:s0], s1  }
0x145: {  	s0 =	simm.s32 @!p0 $0x9  }
0x146: {  	_ =	swait.ge @!p0 [sflag:s0], s1  }
0x147: {  	s1 =	ssub.s32 @!p0 $0x0, s1;
	[sflag:s0] =	ssyncset.done @!p0 $0x0  }
0x148: {  	[sflag:s0] =	ssyncadd.s32 @!p0 s1  }
0x149: {  	[bflag:$0x3] =	sbarrier.arrive $0xFFFF  }
0x14a: {  	_ =	shalt  }

</sc_bundles>
